<compile_context>
chip_gen: v7x
topology: tpu7x:2x2x1
jax: 0.10.2.dev20260603
libtpu: 0.0.44.dev20260713+nightly
codegen_flags: <defaults>
</compile_context>

<pallas_src>
import functools

import jax
import jax.numpy as jnp
from jax import lax
from jax.experimental import pallas as pl
from jax.experimental.pallas import tpu as pltpu
from jax.experimental.pallas import tpu_sc as plsc

_VOCAB = 100000
_EMB = 64
_BATCH = 4096
_SEQ = 200
_LANES = 16
_NW = 32
_B_PER_W = _BATCH // _NW
_SEGS = ((0, 200),)
_NBUF = 4


def _fire(table_hbm, idx_all, r, buf, sem):
    for off, sz in _SEGS:
        pltpu.async_copy(table_hbm.at[idx_all.at[r, pl.ds(off, sz)]],
                         buf.at[pl.ds(off, sz)], sem)


def _drain(table_hbm, idx_all, r, buf, sem):
    for off, sz in _SEGS:
        pltpu.make_async_copy(table_hbm.at[idx_all.at[r, pl.ds(off, sz)]],
                              buf.at[pl.ds(off, sz)], sem).wait()


def _count_pads(idx_all, r):
    zi = jnp.zeros((_LANES,), jnp.int32)
    oi = jnp.full((_LANES,), 1, jnp.int32)

    def cnt_body(k, acc):
        v = idx_all[r, pl.ds(k * _LANES, _LANES)]
        return acc + jnp.where(v == 0, oi, zi)

    cnt = lax.fori_loop(0, _SEQ // _LANES - 1, cnt_body, zi)
    v11 = idx_all[r, pl.ds(176, _LANES)]
    cnt = cnt + jnp.where(v11 == 0, oi, zi)
    lane = lax.iota(jnp.int32, _LANES)
    vt = idx_all[r, pl.ds(184, _LANES)]
    cnt = cnt + jnp.where((vt == 0) & (lane >= 8), oi, zi)
    n_pad = jnp.int32(0)
    for l in range(_LANES):
        n_pad = n_pad + cnt[l]
    return n_pad


def _consume(buf, n_pad, t0f, out_v, i_out):
    def acc_body(s, accs):
        accs = list(accs)
        for u in range(8):
            r = s * 8 + u
            h = (u % 2) * 4
            for j in range(4):
                accs[h + j] = accs[h + j] + buf[r, pl.ds(j * _LANES, _LANES)]
        return tuple(accs)

    z = jnp.zeros((_LANES,), jnp.float32)
    a = lax.fori_loop(0, _SEQ // 8, acc_body, (z,) * 8)

    npf = jnp.broadcast_to(n_pad.astype(jnp.float32), (_LANES,))
    inv = 1.0 / jnp.maximum(jnp.float32(_SEQ) - npf, 1.0)
    for j in range(4):
        s_j = a[j] + a[4 + j]
        out_v[i_out, pl.ds(j * _LANES, _LANES)] = (
            (s_j - npf * t0f[pl.ds(j * _LANES, _LANES)]) * inv)


def _body(x_hbm, table_hbm, out_hbm,
          idx_all, b0, b1, b2, b3, out_v, t0f, s0, s1, s2, s3):
    bufs = (b0, b1, b2, b3)
    sems = (s0, s1, s2, s3)
    wid = lax.axis_index("s") * 2 + lax.axis_index("c")
    base = wid * _B_PER_W

    pltpu.sync_copy(table_hbm.at[0], t0f)
    pltpu.sync_copy(x_hbm.at[pl.ds(base, _B_PER_W)], idx_all)

    for b in range(_NBUF - 1):
        _fire(table_hbm, idx_all, jnp.int32(b), bufs[b], sems[b])

    def quad_body(i, carry):
        for b in range(_NBUF):
            r = i * _NBUF + b
            rn = jnp.minimum(r + (_NBUF - 1), _B_PER_W - 1)
            _fire(table_hbm, idx_all, rn, bufs[(b + _NBUF - 1) % _NBUF],
                  sems[(b + _NBUF - 1) % _NBUF])
            n_pad = _count_pads(idx_all, r)
            _drain(table_hbm, idx_all, r, bufs[b], sems[b])
            _consume(bufs[b], n_pad, t0f, out_v, r)
        return carry

    lax.fori_loop(0, _B_PER_W // _NBUF, quad_body, 0)
    last = jnp.int32(_B_PER_W - 1)
    for b in range(_NBUF - 1):
        _drain(table_hbm, idx_all, last, bufs[b], sems[b])

    pltpu.sync_copy(out_v, out_hbm.at[pl.ds(base, _B_PER_W)])


_sc_call = functools.partial(
    pl.kernel,
    out_type=jax.ShapeDtypeStruct((_BATCH, _EMB), jnp.float32),
    mesh=plsc.VectorSubcoreMesh(core_axis_name="c", subcore_axis_name="s"),
    compiler_params=pltpu.CompilerParams(use_tc_tiling_on_sc=False,
                                         needs_layout_passes=False),
    scratch_types=[
        pltpu.VMEM((_B_PER_W, _SEQ), jnp.int32),
        pltpu.VMEM((_SEQ, _EMB), jnp.float32),
        pltpu.VMEM((_SEQ, _EMB), jnp.float32),
        pltpu.VMEM((_SEQ, _EMB), jnp.float32),
        pltpu.VMEM((_SEQ, _EMB), jnp.float32),
        pltpu.VMEM((_B_PER_W, _EMB), jnp.float32),
        pltpu.VMEM((_EMB,), jnp.float32),
        pltpu.SemaphoreType.DMA,
        pltpu.SemaphoreType.DMA,
        pltpu.SemaphoreType.DMA,
        pltpu.SemaphoreType.DMA,
    ],
)(_body)


def kernel(x, table):
    return _sc_call(x.astype(jnp.int32), table)

# --- scband reference (transcript-rebuilt; emitter-appended) ---
"""Pipeline reference for scband-simple-text-encoder-1632087572950 (READ-ONLY COPY).

The authoritative reference and input builder live on the scoring server;
editing this copy changes nothing except your own understanding.
"""

import jax, jax.numpy as jnp
import numpy as np

VOCAB = 100000
EMB = 64
BATCH = 4096
SEQ = 200
PAD_ID = 0


def setup_inputs(seed: int = 0) -> dict:
    key = jax.random.key(seed)
    k1, k2 = jax.random.split(key)
    x = jax.random.randint(k1, (BATCH, SEQ), 0, VOCAB, dtype=jnp.int64 if jax.config.jax_enable_x64 else jnp.int32)
    table = jax.random.normal(k2, (VOCAB, EMB), dtype=jnp.float32)
    return {"x": x, "table": table}


def reference(x, table):
    # emb = self.embedding(x)
    emb = jnp.take(table, x, axis=0)  # [B, S, D]
    # mask = (x != token_to_id['<pad>']).unsqueeze(-1).float()
    mask = (x != PAD_ID)[..., None].astype(jnp.float32)  # [B, S, 1]
    masked_emb = emb * mask
    # lengths = mask.sum(dim=1).clamp(min=1.0)
    lengths = jnp.clip(jnp.sum(mask, axis=1), 1.0, None)  # [B, 1]
    pooled = jnp.sum(masked_emb, axis=1) / lengths  # [B, D]
    return pooled

if __name__ == "__main__":
    import jax
    _d = setup_inputs()
    print(jax.jit(kernel)(*tuple(_d.values())))

</pallas_src>

<mosaic_0001>
#map = affine_map<(d0, d1) -> (0, 0)>
module attributes {stable_mosaic.version = 14 : i64} {
  func.func @_body(%arg0: i32, %arg1: i32, %arg2: memref<4096x200xi32, #tpu.memory_space<hbm>>, %arg3: memref<100000x64xf32, #tpu.memory_space<hbm>>, %arg4: memref<4096x64xf32, #tpu.memory_space<hbm>>, %arg5: memref<128x200xi32, #tpu.memory_space<vmem>>, %arg6: memref<200x64xf32, #tpu.memory_space<vmem>>, %arg7: memref<200x64xf32, #tpu.memory_space<vmem>>, %arg8: memref<200x64xf32, #tpu.memory_space<vmem>>, %arg9: memref<200x64xf32, #tpu.memory_space<vmem>>, %arg10: memref<128x64xf32, #tpu.memory_space<vmem>>, %arg11: memref<64xf32, #tpu.memory_space<vmem>>, %arg12: memref<!tpu.dma_semaphore, #tpu.memory_space<semaphore_mem>>, %arg13: memref<!tpu.dma_semaphore, #tpu.memory_space<semaphore_mem>>, %arg14: memref<!tpu.dma_semaphore, #tpu.memory_space<semaphore_mem>>, %arg15: memref<!tpu.dma_semaphore, #tpu.memory_space<semaphore_mem>>) attributes {dimension_semantics = [#tpu.dimension_semantics<core_parallel>, #tpu.dimension_semantics<subcore_parallel>], iteration_bounds = array<i64: 2, 16>, scalar_prefetch = 0 : i64, scratch_operands = 11 : i64, tpu.core_type = #tpu.core_type<sc_vector_subcore>, window_params = [{transform_indices = #map}, {transform_indices = #map}, {transform_indices = #map}]} {
    %mul3A = arith.constant 2 : i32
    %mul3A_0 = arith.muli %arg1, %mul3A : i32
    %add3A = arith.addi %mul3A_0, %arg0 : i32
    %mul3A_1 = arith.constant 128 : i32
    %mul3A_2 = arith.muli %add3A, %mul3A_1 : i32
    %run_scoped3A = arith.constant 0 : i32
    "tpu.region"() ({
      %run_scoped3A_66 = tpu.sem_alloc : memref<!tpu.dma_semaphore, #tpu.memory_space<semaphore_mem>>
      %dma_start3A_67 = arith.constant 0 : i32
      %dma_start3A_68 = tpu.memref_slice %arg3[%run_scoped3A, %dma_start3A_67] : memref<100000x64xf32, #tpu.memory_space<hbm>> -> memref<1x64xf32, #tpu.memory_space<hbm>>
      %dma_start3A_69 = tpu.memref_squeeze %dma_start3A_68 : memref<1x64xf32, #tpu.memory_space<hbm>> -> memref<64xf32, #tpu.memory_space<hbm>>
      %dma_start3A_70 = arith.constant 0 : i32
      %dma_start3A_71 = tpu.memref_slice %arg3[%run_scoped3A, %dma_start3A_70] : memref<100000x64xf32, #tpu.memory_space<hbm>> -> memref<1x64xf32, #tpu.memory_space<hbm>>
      %dma_start3A_72 = tpu.memref_squeeze %dma_start3A_71 : memref<1x64xf32, #tpu.memory_space<hbm>> -> memref<64xf32, #tpu.memory_space<hbm>>
      tpu.enqueue_dma source(%dma_start3A_72 : memref<64xf32, #tpu.memory_space<hbm>>) target(%arg11 : memref<64xf32, #tpu.memory_space<vmem>>) target_semaphore(%run_scoped3A_66 : memref<!tpu.dma_semaphore, #tpu.memory_space<semaphore_mem>>)
      %dma_wait3A_73 = arith.constant 0 : i32
      %dma_wait3A_74 = tpu.memref_slice %arg3[%run_scoped3A, %dma_wait3A_73] : memref<100000x64xf32, #tpu.memory_space<hbm>> -> memref<1x64xf32, #tpu.memory_space<hbm>>
      %dma_wait3A_75 = tpu.memref_squeeze %dma_wait3A_74 : memref<1x64xf32, #tpu.memory_space<hbm>> -> memref<64xf32, #tpu.memory_space<hbm>>
      %dma_wait3A_76 = arith.constant 0 : i32
      %dma_wait3A_77 = tpu.memref_slice %arg3[%run_scoped3A, %dma_wait3A_76] : memref<100000x64xf32, #tpu.memory_space<hbm>> -> memref<1x64xf32, #tpu.memory_space<hbm>>
      %dma_wait3A_78 = tpu.memref_squeeze %dma_wait3A_77 : memref<1x64xf32, #tpu.memory_space<hbm>> -> memref<64xf32, #tpu.memory_space<hbm>>
      tpu.wait_dma2 semaphore(%run_scoped3A_66 : memref<!tpu.dma_semaphore, #tpu.memory_space<semaphore_mem>>) src(%dma_wait3A_78 : memref<64xf32, #tpu.memory_space<hbm>>) dst(%arg11 : memref<64xf32, #tpu.memory_space<vmem>>)
      tpu.yield
    }) : () -> ()
    "tpu.region"() ({
      %run_scoped3A_66 = tpu.sem_alloc : memref<!tpu.dma_semaphore, #tpu.memory_space<semaphore_mem>>
      %dma_start3A_67 = arith.constant 0 : i32
      %dma_start3A_68 = tpu.memref_slice %arg2[%mul3A_2, %dma_start3A_67] : memref<4096x200xi32, #tpu.memory_space<hbm>> -> memref<128x200xi32, #tpu.memory_space<hbm>>
      %dma_start3A_69 = arith.constant 0 : i32
      %dma_start3A_70 = tpu.memref_slice %arg2[%mul3A_2, %dma_start3A_69] : memref<4096x200xi32, #tpu.memory_space<hbm>> -> memref<128x200xi32, #tpu.memory_space<hbm>>
      tpu.enqueue_dma source(%dma_start3A_70 : memref<128x200xi32, #tpu.memory_space<hbm>>) target(%arg5 : memref<128x200xi32, #tpu.memory_space<vmem>>) target_semaphore(%run_scoped3A_66 : memref<!tpu.dma_semaphore, #tpu.memory_space<semaphore_mem>>)
      %dma_wait3A_71 = arith.constant 0 : i32
      %dma_wait3A_72 = tpu.memref_slice %arg2[%mul3A_2, %dma_wait3A_71] : memref<4096x200xi32, #tpu.memory_space<hbm>> -> memref<128x200xi32, #tpu.memory_space<hbm>>
      %dma_wait3A_73 = arith.constant 0 : i32
      %dma_wait3A_74 = tpu.memref_slice %arg2[%mul3A_2, %dma_wait3A_73] : memref<4096x200xi32, #tpu.memory_space<hbm>> -> memref<128x200xi32, #tpu.memory_space<hbm>>
      tpu.wait_dma2 semaphore(%run_scoped3A_66 : memref<!tpu.dma_semaphore, #tpu.memory_space<semaphore_mem>>) src(%dma_wait3A_74 : memref<128x200xi32, #tpu.memory_space<hbm>>) dst(%arg5 : memref<128x200xi32, #tpu.memory_space<vmem>>)
      tpu.yield
    }) : () -> ()
    %dma_start3A = arith.constant 0 : i32
    %dma_start3A_3 = arith.constant 0 : i32
    %dma_start3A_4 = arith.constant 0 : i32
    %dma_start3A_5 = tpu.memref_slice %arg6[%dma_start3A_3, %dma_start3A_4] : memref<200x64xf32, #tpu.memory_space<vmem>> -> memref<200x64xf32, #tpu.memory_space<vmem>>
    %dma_start3A_6 = arith.constant 0 : i32
    %dma_start3A_7 = tpu.memref_slice %arg5[%dma_start3A, %dma_start3A_6] : memref<128x200xi32, #tpu.memory_space<vmem>> -> memref<1x200xi32, #tpu.memory_space<vmem>>
    %dma_start3A_8 = tpu.memref_squeeze %dma_start3A_7 : memref<1x200xi32, #tpu.memory_space<vmem>> -> memref<200xi32, #tpu.memory_space<vmem>>
    %dma_start3A_9 = arith.constant 0 : i32
    %dma_start3A_10 = arith.constant 0 : i32
    %dma_start3A_11 = tpu.memref_slice %arg3[%dma_start3A_9, %dma_start3A_10] : memref<100000x64xf32, #tpu.memory_space<hbm>> -> memref<100000x64xf32, #tpu.memory_space<hbm>>
    tpu.enqueue_indirect_dma source(%dma_start3A_11 : memref<100000x64xf32, #tpu.memory_space<hbm>>) target(%dma_start3A_5 : memref<200x64xf32, #tpu.memory_space<vmem>>) offsets(%dma_start3A_8 : memref<200xi32, #tpu.memory_space<vmem>>) semaphore(%arg12 : memref<!tpu.dma_semaphore, #tpu.memory_space<semaphore_mem>>)
    %dma_start3A_12 = arith.constant 1 : i32
    %dma_start3A_13 = arith.constant 0 : i32
    %dma_start3A_14 = arith.constant 0 : i32
    %dma_start3A_15 = tpu.memref_slice %arg7[%dma_start3A_13, %dma_start3A_14] : memref<200x64xf32, #tpu.memory_space<vmem>> -> memref<200x64xf32, #tpu.memory_space<vmem>>
    %dma_start3A_16 = arith.constant 0 : i32
    %dma_start3A_17 = tpu.memref_slice %arg5[%dma_start3A_12, %dma_start3A_16] : memref<128x200xi32, #tpu.memory_space<vmem>> -> memref<1x200xi32, #tpu.memory_space<vmem>>
    %dma_start3A_18 = tpu.memref_squeeze %dma_start3A_17 : memref<1x200xi32, #tpu.memory_space<vmem>> -> memref<200xi32, #tpu.memory_space<vmem>>
    %dma_start3A_19 = arith.constant 0 : i32
    %dma_start3A_20 = arith.constant 0 : i32
    %dma_start3A_21 = tpu.memref_slice %arg3[%dma_start3A_19, %dma_start3A_20] : memref<100000x64xf32, #tpu.memory_space<hbm>> -> memref<100000x64xf32, #tpu.memory_space<hbm>>
    tpu.enqueue_indirect_dma source(%dma_start3A_21 : memref<100000x64xf32, #tpu.memory_space<hbm>>) target(%dma_start3A_15 : memref<200x64xf32, #tpu.memory_space<vmem>>) offsets(%dma_start3A_18 : memref<200xi32, #tpu.memory_space<vmem>>) semaphore(%arg13 : memref<!tpu.dma_semaphore, #tpu.memory_space<semaphore_mem>>)
    %dma_start3A_22 = arith.constant 2 : i32
    %dma_start3A_23 = arith.constant 0 : i32
    %dma_start3A_24 = arith.constant 0 : i32
    %dma_start3A_25 = tpu.memref_slice %arg8[%dma_start3A_23, %dma_start3A_24] : memref<200x64xf32, #tpu.memory_space<vmem>> -> memref<200x64xf32, #tpu.memory_space<vmem>>
    %dma_start3A_26 = arith.constant 0 : i32
    %dma_start3A_27 = tpu.memref_slice %arg5[%dma_start3A_22, %dma_start3A_26] : memref<128x200xi32, #tpu.memory_space<vmem>> -> memref<1x200xi32, #tpu.memory_space<vmem>>
    %dma_start3A_28 = tpu.memref_squeeze %dma_start3A_27 : memref<1x200xi32, #tpu.memory_space<vmem>> -> memref<200xi32, #tpu.memory_space<vmem>>
    %dma_start3A_29 = arith.constant 0 : i32
    %dma_start3A_30 = arith.constant 0 : i32
    %dma_start3A_31 = tpu.memref_slice %arg3[%dma_start3A_29, %dma_start3A_30] : memref<100000x64xf32, #tpu.memory_space<hbm>> -> memref<100000x64xf32, #tpu.memory_space<hbm>>
    tpu.enqueue_indirect_dma source(%dma_start3A_31 : memref<100000x64xf32, #tpu.memory_space<hbm>>) target(%dma_start3A_25 : memref<200x64xf32, #tpu.memory_space<vmem>>) offsets(%dma_start3A_28 : memref<200xi32, #tpu.memory_space<vmem>>) semaphore(%arg14 : memref<!tpu.dma_semaphore, #tpu.memory_space<semaphore_mem>>)
    %scan3A = arith.constant 0 : i32
    %scan3A_32 = arith.constant 0 : i32
    %scan3A_33 = arith.constant 32 : i32
    %scan3A_34 = arith.addi %scan3A_32, %scan3A_33 : i32
    %scan3A_35 = arith.constant 1 : i32
    scf.for %scan3A_66 = %scan3A_32 to %scan3A_34 step %scan3A_35  : i32 {
      %mul3A_67 = arith.constant 4 : i32
      %mul3A_68 = arith.muli %scan3A_66, %mul3A_67 : i32
      %add3A_69 = arith.constant 0 : i32
      %add3A_70 = arith.addi %mul3A_68, %add3A_69 : i32
      %add3A_71 = arith.constant 3 : i32
      %add3A_72 = arith.addi %add3A_70, %add3A_71 : i32
      %min3A = arith.constant 127 : i32
      %min3A_73 = arith.minsi %add3A_72, %min3A : i32
      %dma_start3A_74 = arith.constant 0 : i32
      %dma_start3A_75 = arith.constant 0 : i32
      %dma_start3A_76 = tpu.memref_slice %arg9[%dma_start3A_74, %dma_start3A_75] : memref<200x64xf32, #tpu.memory_space<vmem>> -> memref<200x64xf32, #tpu.memory_space<vmem>>
      %dma_start3A_77 = arith.constant 0 : i32
      %dma_start3A_78 = tpu.memref_slice %arg5[%min3A_73, %dma_start3A_77] : memref<128x200xi32, #tpu.memory_space<vmem>> -> memref<1x200xi32, #tpu.memory_space<vmem>>
      %dma_start3A_79 = tpu.memref_squeeze %dma_start3A_78 : memref<1x200xi32, #tpu.memory_space<vmem>> -> memref<200xi32, #tpu.memory_space<vmem>>
      %dma_start3A_80 = arith.constant 0 : i32
      %dma_start3A_81 = arith.constant 0 : i32
      %dma_start3A_82 = tpu.memref_slice %arg3[%dma_start3A_80, %dma_start3A_81] : memref<100000x64xf32, #tpu.memory_space<hbm>> -> memref<100000x64xf32, #tpu.memory_space<hbm>>
      tpu.enqueue_indirect_dma source(%dma_start3A_82 : memref<100000x64xf32, #tpu.memory_space<hbm>>) target(%dma_start3A_76 : memref<200x64xf32, #tpu.memory_space<vmem>>) offsets(%dma_start3A_79 : memref<200xi32, #tpu.memory_space<vmem>>) semaphore(%arg15 : memref<!tpu.dma_semaphore, #tpu.memory_space<semaphore_mem>>)
      %broadcast_in_dim3A = arith.constant 0 : i32
      %broadcast_in_dim3A_83 = vector.broadcast %broadcast_in_dim3A : i32 to vector<16xi32>
      %broadcast_in_dim3A_84 = arith.constant 1 : i32
      %broadcast_in_dim3A_85 = vector.broadcast %broadcast_in_dim3A_84 : i32 to vector<16xi32>
      %scan3A_86 = arith.constant 0 : i32
      %scan3A_87 = arith.constant 11 : i32
      %scan3A_88 = arith.addi %scan3A_86, %scan3A_87 : i32
      %scan3A_89 = arith.constant 1 : i32
      %scan3A_90 = scf.for %scan3A_696 = %scan3A_86 to %scan3A_88 step %scan3A_89 iter_args(%scan3A_697 = %broadcast_in_dim3A_83) -> (vector<16xi32>)  : i32 {
        %mul3A_698 = arith.constant 16 : i32
        %mul3A_699 = arith.muli %scan3A_696, %mul3A_698 : i32
        %get3A_700 = arith.index_cast %add3A_70 : i32 to index
        %get3A_701 = arith.index_cast %mul3A_699 : i32 to index
        %get3A_702 = tpu.vector_load %arg5[%get3A_700, %get3A_701] {strides = array<i32>} : memref<128x200xi32, #tpu.memory_space<vmem>>, vector<16xi32>,
        %eq3A_703 = arith.constant 0 : i32
        %eq3A_704 = vector.broadcast %eq3A_703 : i32 to vector<16xi32>
        %eq3A_705 = arith.cmpi eq, %get3A_702, %eq3A_704 : vector<16xi32>
        %select_n3A_706 = arith.select %eq3A_705, %broadcast_in_dim3A_85, %broadcast_in_dim3A_83 : vector<16xi1>, vector<16xi32>
        %add3A_707 = arith.addi %scan3A_697, %select_n3A_706 : vector<16xi32>
        scf.yield %add3A_707 : vector<16xi32>
      }
      %scan3A_91 = arith.constant 11 : i32
      %get3A = arith.index_cast %add3A_70 : i32 to index
      %get3A_92 = arith.constant 176 : index
      %get3A_93 = tpu.vector_load %arg5[%get3A, %get3A_92] {strides = array<i32>} : memref<128x200xi32, #tpu.memory_space<vmem>>, vector<16xi32>,
      %eq3A = arith.constant 0 : i32
      %eq3A_94 = vector.broadcast %eq3A : i32 to vector<16xi32>
      %eq3A_95 = arith.cmpi eq, %get3A_93, %eq3A_94 : vector<16xi32>
      %select_n3A = arith.select %eq3A_95, %broadcast_in_dim3A_85, %broadcast_in_dim3A_83 : vector<16xi1>, vector<16xi32>
      %add3A_96 = arith.addi %scan3A_90, %select_n3A : vector<16xi32>
      %iota3A = tpu.iota {dimensions = array<i32: 0>} : vector<16xi32>
      %get3A_97 = arith.index_cast %add3A_70 : i32 to index
      %get3A_98 = arith.constant 184 : index
      %get3A_99 = tpu.vector_load %arg5[%get3A_97, %get3A_98] {strides = array<i32>} : memref<128x200xi32, #tpu.memory_space<vmem>>, vector<16xi32>,
      %eq3A_100 = arith.constant 0 : i32
      %eq3A_101 = vector.broadcast %eq3A_100 : i32 to vector<16xi32>
      %eq3A_102 = arith.cmpi eq, %get3A_99, %eq3A_101 : vector<16xi32>
      %ge3A = arith.constant 8 : i32
      %ge3A_103 = vector.broadcast %ge3A : i32 to vector<16xi32>
      %ge3A_104 = arith.cmpi sge, %iota3A, %ge3A_103 : vector<16xi32>
      %and3A = arith.andi %eq3A_102, %ge3A_104 : vector<16xi1>
      %select_n3A_105 = arith.select %and3A, %broadcast_in_dim3A_85, %broadcast_in_dim3A_83 : vector<16xi1>, vector<16xi32>
      %add3A_106 = arith.addi %add3A_96, %select_n3A_105 : vector<16xi32>
      %slice3A = vector.extract_strided_slice %add3A_106 {offsets = [0], sizes = [1], strides = [1]} : vector<16xi32> to vector<1xi32>
      %squeeze3A = vector.extract %slice3A[0] : i32 from vector<1xi32>
      %add3A_107 = arith.constant 0 : i32
      %add3A_108 = arith.addi %add3A_107, %squeeze3A : i32
      %slice3A_109 = vector.extract_strided_slice %add3A_106 {offsets = [1], sizes = [1], strides = [1]} : vector<16xi32> to vector<1xi32>
      %squeeze3A_110 = vector.extract %slice3A_109[0] : i32 from vector<1xi32>
      %add3A_111 = arith.addi %add3A_108, %squeeze3A_110 : i32
      %slice3A_112 = vector.extract_strided_slice %add3A_106 {offsets = [2], sizes = [1], strides = [1]} : vector<16xi32> to vector<1xi32>
      %squeeze3A_113 = vector.extract %slice3A_112[0] : i32 from vector<1xi32>
      %add3A_114 = arith.addi %add3A_111, %squeeze3A_113 : i32
      %slice3A_115 = vector.extract_strided_slice %add3A_106 {offsets = [3], sizes = [1], strides = [1]} : vector<16xi32> to vector<1xi32>
      %squeeze3A_116 = vector.extract %slice3A_115[0] : i32 from vector<1xi32>
      %add3A_117 = arith.addi %add3A_114, %squeeze3A_116 : i32
      %slice3A_118 = vector.extract_strided_slice %add3A_106 {offsets = [4], sizes = [1], strides = [1]} : vector<16xi32> to vector<1xi32>
      %squeeze3A_119 = vector.extract %slice3A_118[0] : i32 from vector<1xi32>
      %add3A_120 = arith.addi %add3A_117, %squeeze3A_119 : i32
      %slice3A_121 = vector.extract_strided_slice %add3A_106 {offsets = [5], sizes = [1], strides = [1]} : vector<16xi32> to vector<1xi32>
      %squeeze3A_122 = vector.extract %slice3A_121[0] : i32 from vector<1xi32>
      %add3A_123 = arith.addi %add3A_120, %squeeze3A_122 : i32
      %slice3A_124 = vector.extract_strided_slice %add3A_106 {offsets = [6], sizes = [1], strides = [1]} : vector<16xi32> to vector<1xi32>
      %squeeze3A_125 = vector.extract %slice3A_124[0] : i32 from vector<1xi32>
      %add3A_126 = arith.addi %add3A_123, %squeeze3A_125 : i32
      %slice3A_127 = vector.extract_strided_slice %add3A_106 {offsets = [7], sizes = [1], strides = [1]} : vector<16xi32> to vector<1xi32>
      %squeeze3A_128 = vector.extract %slice3A_127[0] : i32 from vector<1xi32>
      %add3A_129 = arith.addi %add3A_126, %squeeze3A_128 : i32
      %slice3A_130 = vector.extract_strided_slice %add3A_106 {offsets = [8], sizes = [1], strides = [1]} : vector<16xi32> to vector<1xi32>
      %squeeze3A_131 = vector.extract %slice3A_130[0] : i32 from vector<1xi32>
      %add3A_132 = arith.addi %add3A_129, %squeeze3A_131 : i32
      %slice3A_133 = vector.extract_strided_slice %add3A_106 {offsets = [9], sizes = [1], strides = [1]} : vector<16xi32> to vector<1xi32>
      %squeeze3A_134 = vector.extract %slice3A_133[0] : i32 from vector<1xi32>
      %add3A_135 = arith.addi %add3A_132, %squeeze3A_134 : i32
      %slice3A_136 = vector.extract_strided_slice %add3A_106 {offsets = [10], sizes = [1], strides = [1]} : vector<16xi32> to vector<1xi32>
      %squeeze3A_137 = vector.extract %slice3A_136[0] : i32 from vector<1xi32>
      %add3A_138 = arith.addi %add3A_135, %squeeze3A_137 : i32
      %slice3A_139 = vector.extract_strided_slice %add3A_106 {offsets = [11], sizes = [1], strides = [1]} : vector<16xi32> to vector<1xi32>
      %squeeze3A_140 = vector.extract %slice3A_139[0] : i32 from vector<1xi32>
      %add3A_141 = arith.addi %add3A_138, %squeeze3A_140 : i32
      %slice3A_142 = vector.extract_strided_slice %add3A_106 {offsets = [12], sizes = [1], strides = [1]} : vector<16xi32> to vector<1xi32>
      %squeeze3A_143 = vector.extract %slice3A_142[0] : i32 from vector<1xi32>
      %add3A_144 = arith.addi %add3A_141, %squeeze3A_143 : i32
      %slice3A_145 = vector.extract_strided_slice %add3A_106 {offsets = [13], sizes = [1], strides = [1]} : vector<16xi32> to vector<1xi32>
      %squeeze3A_146 = vector.extract %slice3A_145[0] : i32 from vector<1xi32>
      %add3A_147 = arith.addi %add3A_144, %squeeze3A_146 : i32
      %slice3A_148 = vector.extract_strided_slice %add3A_106 {offsets = [14], sizes = [1], strides = [1]} : vector<16xi32> to vector<1xi32>
      %squeeze3A_149 = vector.extract %slice3A_148[0] : i32 from vector<1xi32>
      %add3A_150 = arith.addi %add3A_147, %squeeze3A_149 : i32
      %slice3A_151 = vector.extract_strided_slice %add3A_106 {offsets = [15], sizes = [1], strides = [1]} : vector<16xi32> to vector<1xi32>
      %squeeze3A_152 = vector.extract %slice3A_151[0] : i32 from vector<1xi32>
      %add3A_153 = arith.addi %add3A_150, %squeeze3A_152 : i32
      %dma_wait3A_154 = arith.constant 0 : i32
      %dma_wait3A_155 = arith.constant 0 : i32
      %dma_wait3A_156 = tpu.memref_slice %arg6[%dma_wait3A_154, %dma_wait3A_155] : memref<200x64xf32, #tpu.memory_space<vmem>> -> memref<200x64xf32, #tpu.memory_space<vmem>>
      %dma_wait3A_157 = arith.constant 0 : i32
      %dma_wait3A_158 = tpu.memref_slice %arg5[%add3A_70, %dma_wait3A_157] : memref<128x200xi32, #tpu.memory_space<vmem>> -> memref<1x200xi32, #tpu.memory_space<vmem>>
      %dma_wait3A_159 = tpu.memref_squeeze %dma_wait3A_158 : memref<1x200xi32, #tpu.memory_space<vmem>> -> memref<200xi32, #tpu.memory_space<vmem>>
      %dma_wait3A_160 = arith.constant 0 : i32
      %dma_wait3A_161 = arith.constant 0 : i32
      %dma_wait3A_162 = tpu.memref_slice %arg3[%dma_wait3A_160, %dma_wait3A_161] : memref<100000x64xf32, #tpu.memory_space<hbm>> -> memref<100000x64xf32, #tpu.memory_space<hbm>>
      tpu.wait_indirect_dma semaphore(%arg12 : memref<!tpu.dma_semaphore, #tpu.memory_space<semaphore_mem>>) src(%dma_wait3A_162 : memref<100000x64xf32, #tpu.memory_space<hbm>>) dst(%dma_wait3A_156 : memref<200x64xf32, #tpu.memory_space<vmem>>)
      %broadcast_in_dim3A_163 = arith.constant 0.000000e+00 : f32
      %broadcast_in_dim3A_164 = vector.broadcast %broadcast_in_dim3A_163 : f32 to vector<16xf32>
      %scan3A_165 = arith.constant 0 : i32
      %scan3A_166 = arith.constant 25 : i32
      %scan3A_167 = arith.addi %scan3A_165, %scan3A_166 : i32
      %scan3A_168 = arith.constant 1 : i32
      %scan3A_169:8 = scf.for %scan3A_696 = %scan3A_165 to %scan3A_167 step %scan3A_168 iter_args(%scan3A_697 = %broadcast_in_dim3A_164, %scan3A_698 = %broadcast_in_dim3A_164, %scan3A_699 = %broadcast_in_dim3A_164, %scan3A_700 = %broadcast_in_dim3A_164, %scan3A_701 = %broadcast_in_dim3A_164, %scan3A_702 = %broadcast_in_dim3A_164, %scan3A_703 = %broadcast_in_dim3A_164, %scan3A_704 = %broadcast_in_dim3A_164) -> (vector<16xf32>, vector<16xf32>, vector<16xf32>, vector<16xf32>, vector<16xf32>, vector<16xf32>, vector<16xf32>, vector<16xf32>)  : i32 {
        %mul3A_705 = arith.constant 8 : i32
        %mul3A_706 = arith.muli %scan3A_696, %mul3A_705 : i32
        %add3A_707 = arith.constant 0 : i32
        %add3A_708 = arith.addi %mul3A_706, %add3A_707 : i32
        %get3A_709 = arith.index_cast %add3A_708 : i32 to index
        %get3A_710 = arith.constant 0 : index
        %get3A_711 = tpu.vector_load %arg6[%get3A_709, %get3A_710] {strides = array<i32>} : memref<200x64xf32, #tpu.memory_space<vmem>>, vector<16xf32>,
        %add3A_712 = arith.addf %scan3A_697, %get3A_711 : vector<16xf32>
        %get3A_713 = arith.index_cast %add3A_708 : i32 to index
        %get3A_714 = arith.constant 16 : index
        %get3A_715 = tpu.vector_load %arg6[%get3A_713, %get3A_714] {strides = array<i32>} : memref<200x64xf32, #tpu.memory_space<vmem>>, vector<16xf32>,
        %add3A_716 = arith.addf %scan3A_698, %get3A_715 : vector<16xf32>
        %get3A_717 = arith.index_cast %add3A_708 : i32 to index
        %get3A_718 = arith.constant 32 : index
        %get3A_719 = tpu.vector_load %arg6[%get3A_717, %get3A_718] {strides = array<i32>} : memref<200x64xf32, #tpu.memory_space<vmem>>, vector<16xf32>,
        %add3A_720 = arith.addf %scan3A_699, %get3A_719 : vector<16xf32>
        %get3A_721 = arith.index_cast %add3A_708 : i32 to index
        %get3A_722 = arith.constant 48 : index
        %get3A_723 = tpu.vector_load %arg6[%get3A_721, %get3A_722] {strides = array<i32>} : memref<200x64xf32, #tpu.memory_space<vmem>>, vector<16xf32>,
        %add3A_724 = arith.addf %scan3A_700, %get3A_723 : vector<16xf32>
        %mul3A_725 = arith.constant 8 : i32
        %mul3A_726 = arith.muli %scan3A_696, %mul3A_725 : i32
        %add3A_727 = arith.constant 1 : i32
        %add3A_728 = arith.addi %mul3A_726, %add3A_727 : i32
        %get3A_729 = arith.index_cast %add3A_728 : i32 to index
        %get3A_730 = arith.constant 0 : index
        %get3A_731 = tpu.vector_load %arg6[%get3A_729, %get3A_730] {strides = array<i32>} : memref<200x64xf32, #tpu.memory_space<vmem>>, vector<16xf32>,
        %add3A_732 = arith.addf %scan3A_701, %get3A_731 : vector<16xf32>
        %get3A_733 = arith.index_cast %add3A_728 : i32 to index
        %get3A_734 = arith.constant 16 : index
        %get3A_735 = tpu.vector_load %arg6[%get3A_733, %get3A_734] {strides = array<i32>} : memref<200x64xf32, #tpu.memory_space<vmem>>, vector<16xf32>,
        %add3A_736 = arith.addf %scan3A_702, %get3A_735 : vector<16xf32>
        %get3A_737 = arith.index_cast %add3A_728 : i32 to index
        %get3A_738 = arith.constant 32 : index
        %get3A_739 = tpu.vector_load %arg6[%get3A_737, %get3A_738] {strides = array<i32>} : memref<200x64xf32, #tpu.memory_space<vmem>>, vector<16xf32>,
        %add3A_740 = arith.addf %scan3A_703, %get3A_739 : vector<16xf32>
        %get3A_741 = arith.index_cast %add3A_728 : i32 to index
        %get3A_742 = arith.constant 48 : index
        %get3A_743 = tpu.vector_load %arg6[%get3A_741, %get3A_742] {strides = array<i32>} : memref<200x64xf32, #tpu.memory_space<vmem>>, vector<16xf32>,
        %add3A_744 = arith.addf %scan3A_704, %get3A_743 : vector<16xf32>
        %mul3A_745 = arith.constant 8 : i32
        %mul3A_746 = arith.muli %scan3A_696, %mul3A_745 : i32
        %add3A_747 = arith.constant 2 : i32
        %add3A_748 = arith.addi %mul3A_746, %add3A_747 : i32
        %get3A_749 = arith.index_cast %add3A_748 : i32 to index
        %get3A_750 = arith.constant 0 : index
        %get3A_751 = tpu.vector_load %arg6[%get3A_749, %get3A_750] {strides = array<i32>} : memref<200x64xf32, #tpu.memory_space<vmem>>, vector<16xf32>,
        %add3A_752 = arith.addf %add3A_712, %get3A_751 : vector<16xf32>
        %get3A_753 = arith.index_cast %add3A_748 : i32 to index
        %get3A_754 = arith.constant 16 : index
        %get3A_755 = tpu.vector_load %arg6[%get3A_753, %get3A_754] {strides = array<i32>} : memref<200x64xf32, #tpu.memory_space<vmem>>, vector<16xf32>,
        %add3A_756 = arith.addf %add3A_716, %get3A_755 : vector<16xf32>
        %get3A_757 = arith.index_cast %add3A_748 : i32 to index
        %get3A_758 = arith.constant 32 : index
        %get3A_759 = tpu.vector_load %arg6[%get3A_757, %get3A_758] {strides = array<i32>} : memref<200x64xf32, #tpu.memory_space<vmem>>, vector<16xf32>,
        %add3A_760 = arith.addf %add3A_720, %get3A_759 : vector<16xf32>
        %get3A_761 = arith.index_cast %add3A_748 : i32 to index
        %get3A_762 = arith.constant 48 : index
        %get3A_763 = tpu.vector_load %arg6[%get3A_761, %get3A_762] {strides = array<i32>} : memref<200x64xf32, #tpu.memory_space<vmem>>, vector<16xf32>,
        %add3A_764 = arith.addf %add3A_724, %get3A_763 : vector<16xf32>
        %mul3A_765 = arith.constant 8 : i32
        %mul3A_766 = arith.muli %scan3A_696, %mul3A_765 : i32
        %add3A_767 = arith.constant 3 : i32
        %add3A_768 = arith.addi %mul3A_766, %add3A_767 : i32
        %get3A_769 = arith.index_cast %add3A_768 : i32 to index
        %get3A_770 = arith.constant 0 : index
        %get3A_771 = tpu.vector_load %arg6[%get3A_769, %get3A_770] {strides = array<i32>} : memref<200x64xf32, #tpu.memory_space<vmem>>, vector<16xf32>,
        %add3A_772 = arith.addf %add3A_732, %get3A_771 : vector<16xf32>
        %get3A_773 = arith.index_cast %add3A_768 : i32 to index
        %get3A_774 = arith.constant 16 : index
        %get3A_775 = tpu.vector_load %arg6[%get3A_773, %get3A_774] {strides = array<i32>} : memref<200x64xf32, #tpu.memory_space<vmem>>, vector<16xf32>,
        %add3A_776 = arith.addf %add3A_736, %get3A_775 : vector<16xf32>
        %get3A_777 = arith.index_cast %add3A_768 : i32 to index
        %get3A_778 = arith.constant 32 : index
        %get3A_779 = tpu.vector_load %arg6[%get3A_777, %get3A_778] {strides = array<i32>} : memref<200x64xf32, #tpu.memory_space<vmem>>, vector<16xf32>,
        %add3A_780 = arith.addf %add3A_740, %get3A_779 : vector<16xf32>
        %get3A_781 = arith.index_cast %add3A_768 : i32 to index
        %get3A_782 = arith.constant 48 : index
        %get3A_783 = tpu.vector_load %arg6[%get3A_781, %get3A_782] {strides = array<i32>} : memref<200x64xf32, #tpu.memory_space<vmem>>, vector<16xf32>,
        %add3A_784 = arith.addf %add3A_744, %get3A_783 : vector<16xf32>
        %mul3A_785 = arith.constant 8 : i32
        %mul3A_786 = arith.muli %scan3A_696, %mul3A_785 : i32
        %add3A_787 = arith.constant 4 : i32
        %add3A_788 = arith.addi %mul3A_786, %add3A_787 : i32
        %get3A_789 = arith.index_cast %add3A_788 : i32 to index
        %get3A_790 = arith.constant 0 : index
        %get3A_791 = tpu.vector_load %arg6[%get3A_789, %get3A_790] {strides = array<i32>} : memref<200x64xf32, #tpu.memory_space<vmem>>, vector<16xf32>,
        %add3A_792 = arith.addf %add3A_752, %get3A_791 : vector<16xf32>
        %get3A_793 = arith.index_cast %add3A_788 : i32 to index
        %get3A_794 = arith.constant 16 : index
        %get3A_795 = tpu.vector_load %arg6[%get3A_793, %get3A_794] {strides = array<i32>} : memref<200x64xf32, #tpu.memory_space<vmem>>, vector<16xf32>,
        %add3A_796 = arith.addf %add3A_756, %get3A_795 : vector<16xf32>
        %get3A_797 = arith.index_cast %add3A_788 : i32 to index
        %get3A_798 = arith.constant 32 : index
        %get3A_799 = tpu.vector_load %arg6[%get3A_797, %get3A_798] {strides = array<i32>} : memref<200x64xf32, #tpu.memory_space<vmem>>, vector<16xf32>,
        %add3A_800 = arith.addf %add3A_760, %get3A_799 : vector<16xf32>
        %get3A_801 = arith.index_cast %add3A_788 : i32 to index
        %get3A_802 = arith.constant 48 : index
        %get3A_803 = tpu.vector_load %arg6[%get3A_801, %get3A_802] {strides = array<i32>} : memref<200x64xf32, #tpu.memory_space<vmem>>, vector<16xf32>,
        %add3A_804 = arith.addf %add3A_764, %get3A_803 : vector<16xf32>
        %mul3A_805 = arith.constant 8 : i32
        %mul3A_806 = arith.muli %scan3A_696, %mul3A_805 : i32
        %add3A_807 = arith.constant 5 : i32
        %add3A_808 = arith.addi %mul3A_806, %add3A_807 : i32
        %get3A_809 = arith.index_cast %add3A_808 : i32 to index
        %get3A_810 = arith.constant 0 : index
        %get3A_811 = tpu.vector_load %arg6[%get3A_809, %get3A_810] {strides = array<i32>} : memref<200x64xf32, #tpu.memory_space<vmem>>, vector<16xf32>,
        %add3A_812 = arith.addf %add3A_772, %get3A_811 : vector<16xf32>
        %get3A_813 = arith.index_cast %add3A_808 : i32 to index
        %get3A_814 = arith.constant 16 : index
        %get3A_815 = tpu.vector_load %arg6[%get3A_813, %get3A_814] {strides = array<i32>} : memref<200x64xf32, #tpu.memory_space<vmem>>, vector<16xf32>,
        %add3A_816 = arith.addf %add3A_776, %get3A_815 : vector<16xf32>
        %get3A_817 = arith.index_cast %add3A_808 : i32 to index
        %get3A_818 = arith.constant 32 : index
        %get3A_819 = tpu.vector_load %arg6[%get3A_817, %get3A_818] {strides = array<i32>} : memref<200x64xf32, #tpu.memory_space<vmem>>, vector<16xf32>,
        %add3A_820 = arith.addf %add3A_780, %get3A_819 : vector<16xf32>
        %get3A_821 = arith.index_cast %add3A_808 : i32 to index
        %get3A_822 = arith.constant 48 : index
        %get3A_823 = tpu.vector_load %arg6[%get3A_821, %get3A_822] {strides = array<i32>} : memref<200x64xf32, #tpu.memory_space<vmem>>, vector<16xf32>,
        %add3A_824 = arith.addf %add3A_784, %get3A_823 : vector<16xf32>
        %mul3A_825 = arith.constant 8 : i32
        %mul3A_826 = arith.muli %scan3A_696, %mul3A_825 : i32
        %add3A_827 = arith.constant 6 : i32
        %add3A_828 = arith.addi %mul3A_826, %add3A_827 : i32
        %get3A_829 = arith.index_cast %add3A_828 : i32 to index
        %get3A_830 = arith.constant 0 : index
        %get3A_831 = tpu.vector_load %arg6[%get3A_829, %get3A_830] {strides = array<i32>} : memref<200x64xf32, #tpu.memory_space<vmem>>, vector<16xf32>,
        %add3A_832 = arith.addf %add3A_792, %get3A_831 : vector<16xf32>
        %get3A_833 = arith.index_cast %add3A_828 : i32 to index
        %get3A_834 = arith.constant 16 : index
        %get3A_835 = tpu.vector_load %arg6[%get3A_833, %get3A_834] {strides = array<i32>} : memref<200x64xf32, #tpu.memory_space<vmem>>, vector<16xf32>,
        %add3A_836 = arith.addf %add3A_796, %get3A_835 : vector<16xf32>
        %get3A_837 = arith.index_cast %add3A_828 : i32 to index
        %get3A_838 = arith.constant 32 : index
        %get3A_839 = tpu.vector_load %arg6[%get3A_837, %get3A_838] {strides = array<i32>} : memref<200x64xf32, #tpu.memory_space<vmem>>, vector<16xf32>,
        %add3A_840 = arith.addf %add3A_800, %get3A_839 : vector<16xf32>
        %get3A_841 = arith.index_cast %add3A_828 : i32 to index
        %get3A_842 = arith.constant 48 : index
        %get3A_843 = tpu.vector_load %arg6[%get3A_841, %get3A_842] {strides = array<i32>} : memref<200x64xf32, #tpu.memory_space<vmem>>, vector<16xf32>,
        %add3A_844 = arith.addf %add3A_804, %get3A_843 : vector<16xf32>
        %mul3A_845 = arith.constant 8 : i32
        %mul3A_846 = arith.muli %scan3A_696, %mul3A_845 : i32
        %add3A_847 = arith.constant 7 : i32
        %add3A_848 = arith.addi %mul3A_846, %add3A_847 : i32
        %get3A_849 = arith.index_cast %add3A_848 : i32 to index
        %get3A_850 = arith.constant 0 : index
        %get3A_851 = tpu.vector_load %arg6[%get3A_849, %get3A_850] {strides = array<i32>} : memref<200x64xf32, #tpu.memory_space<vmem>>, vector<16xf32>,
        %add3A_852 = arith.addf %add3A_812, %get3A_851 : vector<16xf32>
        %get3A_853 = arith.index_cast %add3A_848 : i32 to index
        %get3A_854 = arith.constant 16 : index
        %get3A_855 = tpu.vector_load %arg6[%get3A_853, %get3A_854] {strides = array<i32>} : memref<200x64xf32, #tpu.memory_space<vmem>>, vector<16xf32>,
        %add3A_856 = arith.addf %add3A_816, %get3A_855 : vector<16xf32>
        %get3A_857 = arith.index_cast %add3A_848 : i32 to index
        %get3A_858 = arith.constant 32 : index
        %get3A_859 = tpu.vector_load %arg6[%get3A_857, %get3A_858] {strides = array<i32>} : memref<200x64xf32, #tpu.memory_space<vmem>>, vector<16xf32>,
        %add3A_860 = arith.addf %add3A_820, %get3A_859 : vector<16xf32>
        %get3A_861 = arith.index_cast %add3A_848 : i32 to index
        %get3A_862 = arith.constant 48 : index
        %get3A_863 = tpu.vector_load %arg6[%get3A_861, %get3A_862] {strides = array<i32>} : memref<200x64xf32, #tpu.memory_space<vmem>>, vector<16xf32>,
        %add3A_864 = arith.addf %add3A_824, %get3A_863 : vector<16xf32>
        scf.yield %add3A_832, %add3A_836, %add3A_840, %add3A_844, %add3A_852, %add3A_856, %add3A_860, %add3A_864 : vector<16xf32>, vector<16xf32>, vector<16xf32>, vector<16xf32>, vector<16xf32>, vector<16xf32>, vector<16xf32>, vector<16xf32>
      }
      %scan3A_170 = arith.constant 25 : i32
      %convert_element_type3A = arith.sitofp %add3A_153 : i32 to f32
      %broadcast_in_dim3A_171 = vector.broadcast %convert_element_type3A : f32 to vector<16xf32>
      %sub3A = arith.constant 2.000000e+02 : f32
      %sub3A_172 = vector.broadcast %sub3A : f32 to vector<16xf32>
      %sub3A_173 = arith.subf %sub3A_172, %broadcast_in_dim3A_171 : vector<16xf32>
      %max3A = arith.constant 1.000000e+00 : f32
      %max3A_174 = vector.broadcast %max3A : f32 to vector<16xf32>
      %max3A_175 = arith.maximumf %sub3A_173, %max3A_174 : vector<16xf32>
      %div3A = arith.constant 1.000000e+00 : f32
      %div3A_176 = vector.broadcast %div3A : f32 to vector<16xf32>
      %div3A_177 = arith.divf %div3A_176, %max3A_175 : vector<16xf32>
      %add3A_178 = arith.addf %scan3A_169#0, %scan3A_169#4 : vector<16xf32>
      %get3A_179 = arith.constant 0 : index
      %get3A_180 = tpu.vector_load %arg11[%get3A_179] {strides = array<i32>} : memref<64xf32, #tpu.memory_space<vmem>>, vector<16xf32>,
      %mul3A_181 = arith.mulf %broadcast_in_dim3A_171, %get3A_180 : vector<16xf32>
      %sub3A_182 = arith.subf %add3A_178, %mul3A_181 : vector<16xf32>
      %mul3A_183 = arith.mulf %sub3A_182, %div3A_177 : vector<16xf32>
      %swap3A = arith.index_cast %add3A_70 : i32 to index
      %swap3A_184 = arith.constant 0 : index
      %swap3A_185 = tpu.vector_load %arg10[%swap3A, %swap3A_184] {strides = array<i32>} : memref<128x64xf32, #tpu.memory_space<vmem>>, vector<16xf32>,
      tpu.vector_store %arg10[%swap3A, %swap3A_184], %mul3A_183 {strides = array<i32>} : memref<128x64xf32, #tpu.memory_space<vmem>>, vector<16xf32>,
      %add3A_186 = arith.addf %scan3A_169#1, %scan3A_169#5 : vector<16xf32>
      %get3A_187 = arith.constant 16 : index
      %get3A_188 = tpu.vector_load %arg11[%get3A_187] {strides = array<i32>} : memref<64xf32, #tpu.memory_space<vmem>>, vector<16xf32>,
      %mul3A_189 = arith.mulf %broadcast_in_dim3A_171, %get3A_188 : vector<16xf32>
      %sub3A_190 = arith.subf %add3A_186, %mul3A_189 : vector<16xf32>
      %mul3A_191 = arith.mulf %sub3A_190, %div3A_177 : vector<16xf32>
      %swap3A_192 = arith.index_cast %add3A_70 : i32 to index
      %swap3A_193 = arith.constant 16 : index
      %swap3A_194 = tpu.vector_load %arg10[%swap3A_192, %swap3A_193] {strides = array<i32>} : memref<128x64xf32, #tpu.memory_space<vmem>>, vector<16xf32>,
      tpu.vector_store %arg10[%swap3A_192, %swap3A_193], %mul3A_191 {strides = array<i32>} : memref<128x64xf32, #tpu.memory_space<vmem>>, vector<16xf32>,
      %add3A_195 = arith.addf %scan3A_169#2, %scan3A_169#6 : vector<16xf32>
      %get3A_196 = arith.constant 32 : index
      %get3A_197 = tpu.vector_load %arg11[%get3A_196] {strides = array<i32>} : memref<64xf32, #tpu.memory_space<vmem>>, vector<16xf32>,
      %mul3A_198 = arith.mulf %broadcast_in_dim3A_171, %get3A_197 : vector<16xf32>
      %sub3A_199 = arith.subf %add3A_195, %mul3A_198 : vector<16xf32>
      %mul3A_200 = arith.mulf %sub3A_199, %div3A_177 : vector<16xf32>
      %swap3A_201 = arith.index_cast %add3A_70 : i32 to index
      %swap3A_202 = arith.constant 32 : index
      %swap3A_203 = tpu.vector_load %arg10[%swap3A_201, %swap3A_202] {strides = array<i32>} : memref<128x64xf32, #tpu.memory_space<vmem>>, vector<16xf32>,
      tpu.vector_store %arg10[%swap3A_201, %swap3A_202], %mul3A_200 {strides = array<i32>} : memref<128x64xf32, #tpu.memory_space<vmem>>, vector<16xf32>,
      %add3A_204 = arith.addf %scan3A_169#3, %scan3A_169#7 : vector<16xf32>
      %get3A_205 = arith.constant 48 : index
      %get3A_206 = tpu.vector_load %arg11[%get3A_205] {strides = array<i32>} : memref<64xf32, #tpu.memory_space<vmem>>, vector<16xf32>,
      %mul3A_207 = arith.mulf %broadcast_in_dim3A_171, %get3A_206 : vector<16xf32>
      %sub3A_208 = arith.subf %add3A_204, %mul3A_207 : vector<16xf32>
      %mul3A_209 = arith.mulf %sub3A_208, %div3A_177 : vector<16xf32>
      %swap3A_210 = arith.index_cast %add3A_70 : i32 to index
      %swap3A_211 = arith.constant 48 : index
      %swap3A_212 = tpu.vector_load %arg10[%swap3A_210, %swap3A_211] {strides = array<i32>} : memref<128x64xf32, #tpu.memory_space<vmem>>, vector<16xf32>,
      tpu.vector_store %arg10[%swap3A_210, %swap3A_211], %mul3A_209 {strides = array<i32>} : memref<128x64xf32, #tpu.memory_space<vmem>>, vector<16xf32>,
      %mul3A_213 = arith.constant 4 : i32
      %mul3A_214 = arith.muli %scan3A_66, %mul3A_213 : i32
      %add3A_215 = arith.constant 1 : i32
      %add3A_216 = arith.addi %mul3A_214, %add3A_215 : i32
      %add3A_217 = arith.constant 3 : i32
      %add3A_218 = arith.addi %add3A_216, %add3A_217 : i32
      %min3A_219 = arith.constant 127 : i32
      %min3A_220 = arith.minsi %add3A_218, %min3A_219 : i32
      %dma_start3A_221 = arith.constant 0 : i32
      %dma_start3A_222 = arith.constant 0 : i32
      %dma_start3A_223 = tpu.memref_slice %arg6[%dma_start3A_221, %dma_start3A_222] : memref<200x64xf32, #tpu.memory_space<vmem>> -> memref<200x64xf32, #tpu.memory_space<vmem>>
      %dma_start3A_224 = arith.constant 0 : i32
      %dma_start3A_225 = tpu.memref_slice %arg5[%min3A_220, %dma_start3A_224] : memref<128x200xi32, #tpu.memory_space<vmem>> -> memref<1x200xi32, #tpu.memory_space<vmem>>
      %dma_start3A_226 = tpu.memref_squeeze %dma_start3A_225 : memref<1x200xi32, #tpu.memory_space<vmem>> -> memref<200xi32, #tpu.memory_space<vmem>>
      %dma_start3A_227 = arith.constant 0 : i32
      %dma_start3A_228 = arith.constant 0 : i32
      %dma_start3A_229 = tpu.memref_slice %arg3[%dma_start3A_227, %dma_start3A_228] : memref<100000x64xf32, #tpu.memory_space<hbm>> -> memref<100000x64xf32, #tpu.memory_space<hbm>>
      tpu.enqueue_indirect_dma source(%dma_start3A_229 : memref<100000x64xf32, #tpu.memory_space<hbm>>) target(%dma_start3A_223 : memref<200x64xf32, #tpu.memory_space<vmem>>) offsets(%dma_start3A_226 : memref<200xi32, #tpu.memory_space<vmem>>) semaphore(%arg12 : memref<!tpu.dma_semaphore, #tpu.memory_space<semaphore_mem>>)
      %broadcast_in_dim3A_230 = arith.constant 0 : i32
      %broadcast_in_dim3A_231 = vector.broadcast %broadcast_in_dim3A_230 : i32 to vector<16xi32>
      %broadcast_in_dim3A_232 = arith.constant 1 : i32
      %broadcast_in_dim3A_233 = vector.broadcast %broadcast_in_dim3A_232 : i32 to vector<16xi32>
      %scan3A_234 = arith.constant 0 : i32
      %scan3A_235 = arith.constant 11 : i32
      %scan3A_236 = arith.addi %scan3A_234, %scan3A_235 : i32
      %scan3A_237 = arith.constant 1 : i32
      %scan3A_238 = scf.for %scan3A_696 = %scan3A_234 to %scan3A_236 step %scan3A_237 iter_args(%scan3A_697 = %broadcast_in_dim3A_231) -> (vector<16xi32>)  : i32 {
        %mul3A_698 = arith.constant 16 : i32
        %mul3A_699 = arith.muli %scan3A_696, %mul3A_698 : i32
        %get3A_700 = arith.index_cast %add3A_216 : i32 to index
        %get3A_701 = arith.index_cast %mul3A_699 : i32 to index
        %get3A_702 = tpu.vector_load %arg5[%get3A_700, %get3A_701] {strides = array<i32>} : memref<128x200xi32, #tpu.memory_space<vmem>>, vector<16xi32>,
        %eq3A_703 = arith.constant 0 : i32
        %eq3A_704 = vector.broadcast %eq3A_703 : i32 to vector<16xi32>
        %eq3A_705 = arith.cmpi eq, %get3A_702, %eq3A_704 : vector<16xi32>
        %select_n3A_706 = arith.select %eq3A_705, %broadcast_in_dim3A_233, %broadcast_in_dim3A_231 : vector<16xi1>, vector<16xi32>
        %add3A_707 = arith.addi %scan3A_697, %select_n3A_706 : vector<16xi32>
        scf.yield %add3A_707 : vector<16xi32>
      }
      %scan3A_239 = arith.constant 11 : i32
      %get3A_240 = arith.index_cast %add3A_216 : i32 to index
      %get3A_241 = arith.constant 176 : index
      %get3A_242 = tpu.vector_load %arg5[%get3A_240, %get3A_241] {strides = array<i32>} : memref<128x200xi32, #tpu.memory_space<vmem>>, vector<16xi32>,
      %eq3A_243 = arith.constant 0 : i32
      %eq3A_244 = vector.broadcast %eq3A_243 : i32 to vector<16xi32>
      %eq3A_245 = arith.cmpi eq, %get3A_242, %eq3A_244 : vector<16xi32>
      %select_n3A_246 = arith.select %eq3A_245, %broadcast_in_dim3A_233, %broadcast_in_dim3A_231 : vector<16xi1>, vector<16xi32>
      %add3A_247 = arith.addi %scan3A_238, %select_n3A_246 : vector<16xi32>
      %iota3A_248 = tpu.iota {dimensions = array<i32: 0>} : vector<16xi32>
      %get3A_249 = arith.index_cast %add3A_216 : i32 to index
      %get3A_250 = arith.constant 184 : index
      %get3A_251 = tpu.vector_load %arg5[%get3A_249, %get3A_250] {strides = array<i32>} : memref<128x200xi32, #tpu.memory_space<vmem>>, vector<16xi32>,
      %eq3A_252 = arith.constant 0 : i32
      %eq3A_253 = vector.broadcast %eq3A_252 : i32 to vector<16xi32>
      %eq3A_254 = arith.cmpi eq, %get3A_251, %eq3A_253 : vector<16xi32>
      %ge3A_255 = arith.constant 8 : i32
      %ge3A_256 = vector.broadcast %ge3A_255 : i32 to vector<16xi32>
      %ge3A_257 = arith.cmpi sge, %iota3A_248, %ge3A_256 : vector<16xi32>
      %and3A_258 = arith.andi %eq3A_254, %ge3A_257 : vector<16xi1>
      %select_n3A_259 = arith.select %and3A_258, %broadcast_in_dim3A_233, %broadcast_in_dim3A_231 : vector<16xi1>, vector<16xi32>
      %add3A_260 = arith.addi %add3A_247, %select_n3A_259 : vector<16xi32>
      %slice3A_261 = vector.extract_strided_slice %add3A_260 {offsets = [0], sizes = [1], strides = [1]} : vector<16xi32> to vector<1xi32>
      %squeeze3A_262 = vector.extract %slice3A_261[0] : i32 from vector<1xi32>
      %add3A_263 = arith.constant 0 : i32
      %add3A_264 = arith.addi %add3A_263, %squeeze3A_262 : i32
      %slice3A_265 = vector.extract_strided_slice %add3A_260 {offsets = [1], sizes = [1], strides = [1]} : vector<16xi32> to vector<1xi32>
      %squeeze3A_266 = vector.extract %slice3A_265[0] : i32 from vector<1xi32>
      %add3A_267 = arith.addi %add3A_264, %squeeze3A_266 : i32
      %slice3A_268 = vector.extract_strided_slice %add3A_260 {offsets = [2], sizes = [1], strides = [1]} : vector<16xi32> to vector<1xi32>
      %squeeze3A_269 = vector.extract %slice3A_268[0] : i32 from vector<1xi32>
      %add3A_270 = arith.addi %add3A_267, %squeeze3A_269 : i32
      %slice3A_271 = vector.extract_strided_slice %add3A_260 {offsets = [3], sizes = [1], strides = [1]} : vector<16xi32> to vector<1xi32>
      %squeeze3A_272 = vector.extract %slice3A_271[0] : i32 from vector<1xi32>
      %add3A_273 = arith.addi %add3A_270, %squeeze3A_272 : i32
      %slice3A_274 = vector.extract_strided_slice %add3A_260 {offsets = [4], sizes = [1], strides = [1]} : vector<16xi32> to vector<1xi32>
      %squeeze3A_275 = vector.extract %slice3A_274[0] : i32 from vector<1xi32>
      %add3A_276 = arith.addi %add3A_273, %squeeze3A_275 : i32
      %slice3A_277 = vector.extract_strided_slice %add3A_260 {offsets = [5], sizes = [1], strides = [1]} : vector<16xi32> to vector<1xi32>
      %squeeze3A_278 = vector.extract %slice3A_277[0] : i32 from vector<1xi32>
      %add3A_279 = arith.addi %add3A_276, %squeeze3A_278 : i32
      %slice3A_280 = vector.extract_strided_slice %add3A_260 {offsets = [6], sizes = [1], strides = [1]} : vector<16xi32> to vector<1xi32>
      %squeeze3A_281 = vector.extract %slice3A_280[0] : i32 from vector<1xi32>
      %add3A_282 = arith.addi %add3A_279, %squeeze3A_281 : i32
      %slice3A_283 = vector.extract_strided_slice %add3A_260 {offsets = [7], sizes = [1], strides = [1]} : vector<16xi32> to vector<1xi32>
      %squeeze3A_284 = vector.extract %slice3A_283[0] : i32 from vector<1xi32>
      %add3A_285 = arith.addi %add3A_282, %squeeze3A_284 : i32
      %slice3A_286 = vector.extract_strided_slice %add3A_260 {offsets = [8], sizes = [1], strides = [1]} : vector<16xi32> to vector<1xi32>
      %squeeze3A_287 = vector.extract %slice3A_286[0] : i32 from vector<1xi32>
      %add3A_288 = arith.addi %add3A_285, %squeeze3A_287 : i32
      %slice3A_289 = vector.extract_strided_slice %add3A_260 {offsets = [9], sizes = [1], strides = [1]} : vector<16xi32> to vector<1xi32>
      %squeeze3A_290 = vector.extract %slice3A_289[0] : i32 from vector<1xi32>
      %add3A_291 = arith.addi %add3A_288, %squeeze3A_290 : i32
      %slice3A_292 = vector.extract_strided_slice %add3A_260 {offsets = [10], sizes = [1], strides = [1]} : vector<16xi32> to vector<1xi32>
      %squeeze3A_293 = vector.extract %slice3A_292[0] : i32 from vector<1xi32>
      %add3A_294 = arith.addi %add3A_291, %squeeze3A_293 : i32
      %slice3A_295 = vector.extract_strided_slice %add3A_260 {offsets = [11], sizes = [1], strides = [1]} : vector<16xi32> to vector<1xi32>
      %squeeze3A_296 = vector.extract %slice3A_295[0] : i32 from vector<1xi32>
      %add3A_297 = arith.addi %add3A_294, %squeeze3A_296 : i32
      %slice3A_298 = vector.extract_strided_slice %add3A_260 {offsets = [12], sizes = [1], strides = [1]} : vector<16xi32> to vector<1xi32>
      %squeeze3A_299 = vector.extract %slice3A_298[0] : i32 from vector<1xi32>
      %add3A_300 = arith.addi %add3A_297, %squeeze3A_299 : i32
      %slice3A_301 = vector.extract_strided_slice %add3A_260 {offsets = [13], sizes = [1], strides = [1]} : vector<16xi32> to vector<1xi32>
      %squeeze3A_302 = vector.extract %slice3A_301[0] : i32 from vector<1xi32>
      %add3A_303 = arith.addi %add3A_300, %squeeze3A_302 : i32
      %slice3A_304 = vector.extract_strided_slice %add3A_260 {offsets = [14], sizes = [1], strides = [1]} : vector<16xi32> to vector<1xi32>
      %squeeze3A_305 = vector.extract %slice3A_304[0] : i32 from vector<1xi32>
      %add3A_306 = arith.addi %add3A_303, %squeeze3A_305 : i32
      %slice3A_307 = vector.extract_strided_slice %add3A_260 {offsets = [15], sizes = [1], strides = [1]} : vector<16xi32> to vector<1xi32>
      %squeeze3A_308 = vector.extract %slice3A_307[0] : i32 from vector<1xi32>
      %add3A_309 = arith.addi %add3A_306, %squeeze3A_308 : i32
      %dma_wait3A_310 = arith.constant 0 : i32
      %dma_wait3A_311 = arith.constant 0 : i32
      %dma_wait3A_312 = tpu.memref_slice %arg7[%dma_wait3A_310, %dma_wait3A_311] : memref<200x64xf32, #tpu.memory_space<vmem>> -> memref<200x64xf32, #tpu.memory_space<vmem>>
      %dma_wait3A_313 = arith.constant 0 : i32
      %dma_wait3A_314 = tpu.memref_slice %arg5[%add3A_216, %dma_wait3A_313] : memref<128x200xi32, #tpu.memory_space<vmem>> -> memref<1x200xi32, #tpu.memory_space<vmem>>
      %dma_wait3A_315 = tpu.memref_squeeze %dma_wait3A_314 : memref<1x200xi32, #tpu.memory_space<vmem>> -> memref<200xi32, #tpu.memory_space<vmem>>
      %dma_wait3A_316 = arith.constant 0 : i32
      %dma_wait3A_317 = arith.constant 0 : i32
      %dma_wait3A_318 = tpu.memref_slice %arg3[%dma_wait3A_316, %dma_wait3A_317] : memref<100000x64xf32, #tpu.memory_space<hbm>> -> memref<100000x64xf32, #tpu.memory_space<hbm>>
      tpu.wait_indirect_dma semaphore(%arg13 : memref<!tpu.dma_semaphore, #tpu.memory_space<semaphore_mem>>) src(%dma_wait3A_318 : memref<100000x64xf32, #tpu.memory_space<hbm>>) dst(%dma_wait3A_312 : memref<200x64xf32, #tpu.memory_space<vmem>>)
      %broadcast_in_dim3A_319 = arith.constant 0.000000e+00 : f32
      %broadcast_in_dim3A_320 = vector.broadcast %broadcast_in_dim3A_319 : f32 to vector<16xf32>
      %scan3A_321 = arith.constant 0 : i32
      %scan3A_322 = arith.constant 25 : i32
      %scan3A_323 = arith.addi %scan3A_321, %scan3A_322 : i32
      %scan3A_324 = arith.constant 1 : i32
      %scan3A_325:8 = scf.for %scan3A_696 = %scan3A_321 to %scan3A_323 step %scan3A_324 iter_args(%scan3A_697 = %broadcast_in_dim3A_320, %scan3A_698 = %broadcast_in_dim3A_320, %scan3A_699 = %broadcast_in_dim3A_320, %scan3A_700 = %broadcast_in_dim3A_320, %scan3A_701 = %broadcast_in_dim3A_320, %scan3A_702 = %broadcast_in_dim3A_320, %scan3A_703 = %broadcast_in_dim3A_320, %scan3A_704 = %broadcast_in_dim3A_320) -> (vector<16xf32>, vector<16xf32>, vector<16xf32>, vector<16xf32>, vector<16xf32>, vector<16xf32>, vector<16xf32>, vector<16xf32>)  : i32 {
        %mul3A_705 = arith.constant 8 : i32
        %mul3A_706 = arith.muli %scan3A_696, %mul3A_705 : i32
        %add3A_707 = arith.constant 0 : i32
        %add3A_708 = arith.addi %mul3A_706, %add3A_707 : i32
        %get3A_709 = arith.index_cast %add3A_708 : i32 to index
        %get3A_710 = arith.constant 0 : index
        %get3A_711 = tpu.vector_load %arg7[%get3A_709, %get3A_710] {strides = array<i32>} : memref<200x64xf32, #tpu.memory_space<vmem>>, vector<16xf32>,
        %add3A_712 = arith.addf %scan3A_697, %get3A_711 : vector<16xf32>
        %get3A_713 = arith.index_cast %add3A_708 : i32 to index
        %get3A_714 = arith.constant 16 : index
        %get3A_715 = tpu.vector_load %arg7[%get3A_713, %get3A_714] {strides = array<i32>} : memref<200x64xf32, #tpu.memory_space<vmem>>, vector<16xf32>,
        %add3A_716 = arith.addf %scan3A_698, %get3A_715 : vector<16xf32>
        %get3A_717 = arith.index_cast %add3A_708 : i32 to index
        %get3A_718 = arith.constant 32 : index
        %get3A_719 = tpu.vector_load %arg7[%get3A_717, %get3A_718] {strides = array<i32>} : memref<200x64xf32, #tpu.memory_space<vmem>>, vector<16xf32>,
        %add3A_720 = arith.addf %scan3A_699, %get3A_719 : vector<16xf32>
        %get3A_721 = arith.index_cast %add3A_708 : i32 to index
        %get3A_722 = arith.constant 48 : index
        %get3A_723 = tpu.vector_load %arg7[%get3A_721, %get3A_722] {strides = array<i32>} : memref<200x64xf32, #tpu.memory_space<vmem>>, vector<16xf32>,
        %add3A_724 = arith.addf %scan3A_700, %get3A_723 : vector<16xf32>
        %mul3A_725 = arith.constant 8 : i32
        %mul3A_726 = arith.muli %scan3A_696, %mul3A_725 : i32
        %add3A_727 = arith.constant 1 : i32
        %add3A_728 = arith.addi %mul3A_726, %add3A_727 : i32
        %get3A_729 = arith.index_cast %add3A_728 : i32 to index
        %get3A_730 = arith.constant 0 : index
        %get3A_731 = tpu.vector_load %arg7[%get3A_729, %get3A_730] {strides = array<i32>} : memref<200x64xf32, #tpu.memory_space<vmem>>, vector<16xf32>,
        %add3A_732 = arith.addf %scan3A_701, %get3A_731 : vector<16xf32>
        %get3A_733 = arith.index_cast %add3A_728 : i32 to index
        %get3A_734 = arith.constant 16 : index
        %get3A_735 = tpu.vector_load %arg7[%get3A_733, %get3A_734] {strides = array<i32>} : memref<200x64xf32, #tpu.memory_space<vmem>>, vector<16xf32>,
        %add3A_736 = arith.addf %scan3A_702, %get3A_735 : vector<16xf32>
        %get3A_737 = arith.index_cast %add3A_728 : i32 to index
        %get3A_738 = arith.constant 32 : index
        %get3A_739 = tpu.vector_load %arg7[%get3A_737, %get3A_738] {strides = array<i32>} : memref<200x64xf32, #tpu.memory_space<vmem>>, vector<16xf32>,
        %add3A_740 = arith.addf %scan3A_703, %get3A_739 : vector<16xf32>
        %get3A_741 = arith.index_cast %add3A_728 : i32 to index
        %get3A_742 = arith.constant 48 : index
        %get3A_743 = tpu.vector_load %arg7[%get3A_741, %get3A_742] {strides = array<i32>} : memref<200x64xf32, #tpu.memory_space<vmem>>, vector<16xf32>,
        %add3A_744 = arith.addf %scan3A_704, %get3A_743 : vector<16xf32>
        %mul3A_745 = arith.constant 8 : i32
        %mul3A_746 = arith.muli %scan3A_696, %mul3A_745 : i32
        %add3A_747 = arith.constant 2 : i32
        %add3A_748 = arith.addi %mul3A_746, %add3A_747 : i32
        %get3A_749 = arith.index_cast %add3A_748 : i32 to index
        %get3A_750 = arith.constant 0 : index
        %get3A_751 = tpu.vector_load %arg7[%get3A_749, %get3A_750] {strides = array<i32>} : memref<200x64xf32, #tpu.memory_space<vmem>>, vector<16xf32>,
        %add3A_752 = arith.addf %add3A_712, %get3A_751 : vector<16xf32>
        %get3A_753 = arith.index_cast %add3A_748 : i32 to index
        %get3A_754 = arith.constant 16 : index
        %get3A_755 = tpu.vector_load %arg7[%get3A_753, %get3A_754] {strides = array<i32>} : memref<200x64xf32, #tpu.memory_space<vmem>>, vector<16xf32>,
        %add3A_756 = arith.addf %add3A_716, %get3A_755 : vector<16xf32>
        %get3A_757 = arith.index_cast %add3A_748 : i32 to index
        %get3A_758 = arith.constant 32 : index
        %get3A_759 = tpu.vector_load %arg7[%get3A_757, %get3A_758] {strides = array<i32>} : memref<200x64xf32, #tpu.memory_space<vmem>>, vector<16xf32>,
        %add3A_760 = arith.addf %add3A_720, %get3A_759 : vector<16xf32>
        %get3A_761 = arith.index_cast %add3A_748 : i32 to index
        %get3A_762 = arith.constant 48 : index
        %get3A_763 = tpu.vector_load %arg7[%get3A_761, %get3A_762] {strides = array<i32>} : memref<200x64xf32, #tpu.memory_space<vmem>>, vector<16xf32>,
        %add3A_764 = arith.addf %add3A_724, %get3A_763 : vector<16xf32>
        %mul3A_765 = arith.constant 8 : i32
        %mul3A_766 = arith.muli %scan3A_696, %mul3A_765 : i32
        %add3A_767 = arith.constant 3 : i32
        %add3A_768 = arith.addi %mul3A_766, %add3A_767 : i32
        %get3A_769 = arith.index_cast %add3A_768 : i32 to index
        %get3A_770 = arith.constant 0 : index
        %get3A_771 = tpu.vector_load %arg7[%get3A_769, %get3A_770] {strides = array<i32>} : memref<200x64xf32, #tpu.memory_space<vmem>>, vector<16xf32>,
        %add3A_772 = arith.addf %add3A_732, %get3A_771 : vector<16xf32>
        %get3A_773 = arith.index_cast %add3A_768 : i32 to index
        %get3A_774 = arith.constant 16 : index
        %get3A_775 = tpu.vector_load %arg7[%get3A_773, %get3A_774] {strides = array<i32>} : memref<200x64xf32, #tpu.memory_space<vmem>>, vector<16xf32>,
        %add3A_776 = arith.addf %add3A_736, %get3A_775 : vector<16xf32>
        %get3A_777 = arith.index_cast %add3A_768 : i32 to index
        %get3A_778 = arith.constant 32 : index
        %get3A_779 = tpu.vector_load %arg7[%get3A_777, %get3A_778] {strides = array<i32>} : memref<200x64xf32, #tpu.memory_space<vmem>>, vector<16xf32>,
        %add3A_780 = arith.addf %add3A_740, %get3A_779 : vector<16xf32>
        %get3A_781 = arith.index_cast %add3A_768 : i32 to index
        %get3A_782 = arith.constant 48 : index
        %get3A_783 = tpu.vector_load %arg7[%get3A_781, %get3A_782] {strides = array<i32>} : memref<200x64xf32, #tpu.memory_space<vmem>>, vector<16xf32>,
        %add3A_784 = arith.addf %add3A_744, %get3A_783 : vector<16xf32>
        %mul3A_785 = arith.constant 8 : i32
        %mul3A_786 = arith.muli %scan3A_696, %mul3A_785 : i32
        %add3A_787 = arith.constant 4 : i32
        %add3A_788 = arith.addi %mul3A_786, %add3A_787 : i32
        %get3A_789 = arith.index_cast %add3A_788 : i32 to index
        %get3A_790 = arith.constant 0 : index
        %get3A_791 = tpu.vector_load %arg7[%get3A_789, %get3A_790] {strides = array<i32>} : memref<200x64xf32, #tpu.memory_space<vmem>>, vector<16xf32>,
        %add3A_792 = arith.addf %add3A_752, %get3A_791 : vector<16xf32>
        %get3A_793 = arith.index_cast %add3A_788 : i32 to index
        %get3A_794 = arith.constant 16 : index
        %get3A_795 = tpu.vector_load %arg7[%get3A_793, %get3A_794] {strides = array<i32>} : memref<200x64xf32, #tpu.memory_space<vmem>>, vector<16xf32>,
        %add3A_796 = arith.addf %add3A_756, %get3A_795 : vector<16xf32>
        %get3A_797 = arith.index_cast %add3A_788 : i32 to index
        %get3A_798 = arith.constant 32 : index
        %get3A_799 = tpu.vector_load %arg7[%get3A_797, %get3A_798] {strides = array<i32>} : memref<200x64xf32, #tpu.memory_space<vmem>>, vector<16xf32>,
        %add3A_800 = arith.addf %add3A_760, %get3A_799 : vector<16xf32>
        %get3A_801 = arith.index_cast %add3A_788 : i32 to index
        %get3A_802 = arith.constant 48 : index
        %get3A_803 = tpu.vector_load %arg7[%get3A_801, %get3A_802] {strides = array<i32>} : memref<200x64xf32, #tpu.memory_space<vmem>>, vector<16xf32>,
        %add3A_804 = arith.addf %add3A_764, %get3A_803 : vector<16xf32>
        %mul3A_805 = arith.constant 8 : i32
        %mul3A_806 = arith.muli %scan3A_696, %mul3A_805 : i32
        %add3A_807 = arith.constant 5 : i32
        %add3A_808 = arith.addi %mul3A_806, %add3A_807 : i32
        %get3A_809 = arith.index_cast %add3A_808 : i32 to index
        %get3A_810 = arith.constant 0 : index
        %get3A_811 = tpu.vector_load %arg7[%get3A_809, %get3A_810] {strides = array<i32>} : memref<200x64xf32, #tpu.memory_space<vmem>>, vector<16xf32>,
        %add3A_812 = arith.addf %add3A_772, %get3A_811 : vector<16xf32>
        %get3A_813 = arith.index_cast %add3A_808 : i32 to index
        %get3A_814 = arith.constant 16 : index
        %get3A_815 = tpu.vector_load %arg7[%get3A_813, %get3A_814] {strides = array<i32>} : memref<200x64xf32, #tpu.memory_space<vmem>>, vector<16xf32>,
        %add3A_816 = arith.addf %add3A_776, %get3A_815 : vector<16xf32>
        %get3A_817 = arith.index_cast %add3A_808 : i32 to index
        %get3A_818 = arith.constant 32 : index
        %get3A_819 = tpu.vector_load %arg7[%get3A_817, %get3A_818] {strides = array<i32>} : memref<200x64xf32, #tpu.memory_space<vmem>>, vector<16xf32>,
        %add3A_820 = arith.addf %add3A_780, %get3A_819 : vector<16xf32>
        %get3A_821 = arith.index_cast %add3A_808 : i32 to index
        %get3A_822 = arith.constant 48 : index
        %get3A_823 = tpu.vector_load %arg7[%get3A_821, %get3A_822] {strides = array<i32>} : memref<200x64xf32, #tpu.memory_space<vmem>>, vector<16xf32>,
        %add3A_824 = arith.addf %add3A_784, %get3A_823 : vector<16xf32>
        %mul3A_825 = arith.constant 8 : i32
        %mul3A_826 = arith.muli %scan3A_696, %mul3A_825 : i32
        %add3A_827 = arith.constant 6 : i32
        %add3A_828 = arith.addi %mul3A_826, %add3A_827 : i32
        %get3A_829 = arith.index_cast %add3A_828 : i32 to index
        %get3A_830 = arith.constant 0 : index
        %get3A_831 = tpu.vector_load %arg7[%get3A_829, %get3A_830] {strides = array<i32>} : memref<200x64xf32, #tpu.memory_space<vmem>>, vector<16xf32>,
        %add3A_832 = arith.addf %add3A_792, %get3A_831 : vector<16xf32>
        %get3A_833 = arith.index_cast %add3A_828 : i32 to index
        %get3A_834 = arith.constant 16 : index
        %get3A_835 = tpu.vector_load %arg7[%get3A_833, %get3A_834] {strides = array<i32>} : memref<200x64xf32, #tpu.memory_space<vmem>>, vector<16xf32>,
        %add3A_836 = arith.addf %add3A_796, %get3A_835 : vector<16xf32>
        %get3A_837 = arith.index_cast %add3A_828 : i32 to index
        %get3A_838 = arith.constant 32 : index
        %get3A_839 = tpu.vector_load %arg7[%get3A_837, %get3A_838] {strides = array<i32>} : memref<200x64xf32, #tpu.memory_space<vmem>>, vector<16xf32>,
        %add3A_840 = arith.addf %add3A_800, %get3A_839 : vector<16xf32>
        %get3A_841 = arith.index_cast %add3A_828 : i32 to index
        %get3A_842 = arith.constant 48 : index
        %get3A_843 = tpu.vector_load %arg7[%get3A_841, %get3A_842] {strides = array<i32>} : memref<200x64xf32, #tpu.memory_space<vmem>>, vector<16xf32>,
        %add3A_844 = arith.addf %add3A_804, %get3A_843 : vector<16xf32>
        %mul3A_845 = arith.constant 8 : i32
        %mul3A_846 = arith.muli %scan3A_696, %mul3A_845 : i32
        %add3A_847 = arith.constant 7 : i32
        %add3A_848 = arith.addi %mul3A_846, %add3A_847 : i32
        %get3A_849 = arith.index_cast %add3A_848 : i32 to index
        %get3A_850 = arith.constant 0 : index
        %get3A_851 = tpu.vector_load %arg7[%get3A_849, %get3A_850] {strides = array<i32>} : memref<200x64xf32, #tpu.memory_space<vmem>>, vector<16xf32>,
        %add3A_852 = arith.addf %add3A_812, %get3A_851 : vector<16xf32>
        %get3A_853 = arith.index_cast %add3A_848 : i32 to index
        %get3A_854 = arith.constant 16 : index
        %get3A_855 = tpu.vector_load %arg7[%get3A_853, %get3A_854] {strides = array<i32>} : memref<200x64xf32, #tpu.memory_space<vmem>>, vector<16xf32>,
        %add3A_856 = arith.addf %add3A_816, %get3A_855 : vector<16xf32>
        %get3A_857 = arith.index_cast %add3A_848 : i32 to index
        %get3A_858 = arith.constant 32 : index
        %get3A_859 = tpu.vector_load %arg7[%get3A_857, %get3A_858] {strides = array<i32>} : memref<200x64xf32, #tpu.memory_space<vmem>>, vector<16xf32>,
        %add3A_860 = arith.addf %add3A_820, %get3A_859 : vector<16xf32>
        %get3A_861 = arith.index_cast %add3A_848 : i32 to index
        %get3A_862 = arith.constant 48 : index
        %get3A_863 = tpu.vector_load %arg7[%get3A_861, %get3A_862] {strides = array<i32>} : memref<200x64xf32, #tpu.memory_space<vmem>>, vector<16xf32>,
        %add3A_864 = arith.addf %add3A_824, %get3A_863 : vector<16xf32>
        scf.yield %add3A_832, %add3A_836, %add3A_840, %add3A_844, %add3A_852, %add3A_856, %add3A_860, %add3A_864 : vector<16xf32>, vector<16xf32>, vector<16xf32>, vector<16xf32>, vector<16xf32>, vector<16xf32>, vector<16xf32>, vector<16xf32>
      }
      %scan3A_326 = arith.constant 25 : i32
      %convert_element_type3A_327 = arith.sitofp %add3A_309 : i32 to f32
      %broadcast_in_dim3A_328 = vector.broadcast %convert_element_type3A_327 : f32 to vector<16xf32>
      %sub3A_329 = arith.constant 2.000000e+02 : f32
      %sub3A_330 = vector.broadcast %sub3A_329 : f32 to vector<16xf32>
      %sub3A_331 = arith.subf %sub3A_330, %broadcast_in_dim3A_328 : vector<16xf32>
      %max3A_332 = arith.constant 1.000000e+00 : f32
      %max3A_333 = vector.broadcast %max3A_332 : f32 to vector<16xf32>
      %max3A_334 = arith.maximumf %sub3A_331, %max3A_333 : vector<16xf32>
      %div3A_335 = arith.constant 1.000000e+00 : f32
      %div3A_336 = vector.broadcast %div3A_335 : f32 to vector<16xf32>
      %div3A_337 = arith.divf %div3A_336, %max3A_334 : vector<16xf32>
      %add3A_338 = arith.addf %scan3A_325#0, %scan3A_325#4 : vector<16xf32>
      %get3A_339 = arith.constant 0 : index
      %get3A_340 = tpu.vector_load %arg11[%get3A_339] {strides = array<i32>} : memref<64xf32, #tpu.memory_space<vmem>>, vector<16xf32>,
      %mul3A_341 = arith.mulf %broadcast_in_dim3A_328, %get3A_340 : vector<16xf32>
      %sub3A_342 = arith.subf %add3A_338, %mul3A_341 : vector<16xf32>
      %mul3A_343 = arith.mulf %sub3A_342, %div3A_337 : vector<16xf32>
      %swap3A_344 = arith.index_cast %add3A_216 : i32 to index
      %swap3A_345 = arith.constant 0 : index
      %swap3A_346 = tpu.vector_load %arg10[%swap3A_344, %swap3A_345] {strides = array<i32>} : memref<128x64xf32, #tpu.memory_space<vmem>>, vector<16xf32>,
      tpu.vector_store %arg10[%swap3A_344, %swap3A_345], %mul3A_343 {strides = array<i32>} : memref<128x64xf32, #tpu.memory_space<vmem>>, vector<16xf32>,
      %add3A_347 = arith.addf %scan3A_325#1, %scan3A_325#5 : vector<16xf32>
      %get3A_348 = arith.constant 16 : index
      %get3A_349 = tpu.vector_load %arg11[%get3A_348] {strides = array<i32>} : memref<64xf32, #tpu.memory_space<vmem>>, vector<16xf32>,
      %mul3A_350 = arith.mulf %broadcast_in_dim3A_328, %get3A_349 : vector<16xf32>
      %sub3A_351 = arith.subf %add3A_347, %mul3A_350 : vector<16xf32>
      %mul3A_352 = arith.mulf %sub3A_351, %div3A_337 : vector<16xf32>
      %swap3A_353 = arith.index_cast %add3A_216 : i32 to index
      %swap3A_354 = arith.constant 16 : index
      %swap3A_355 = tpu.vector_load %arg10[%swap3A_353, %swap3A_354] {strides = array<i32>} : memref<128x64xf32, #tpu.memory_space<vmem>>, vector<16xf32>,
      tpu.vector_store %arg10[%swap3A_353, %swap3A_354], %mul3A_352 {strides = array<i32>} : memref<128x64xf32, #tpu.memory_space<vmem>>, vector<16xf32>,
      %add3A_356 = arith.addf %scan3A_325#2, %scan3A_325#6 : vector<16xf32>
      %get3A_357 = arith.constant 32 : index
      %get3A_358 = tpu.vector_load %arg11[%get3A_357] {strides = array<i32>} : memref<64xf32, #tpu.memory_space<vmem>>, vector<16xf32>,
      %mul3A_359 = arith.mulf %broadcast_in_dim3A_328, %get3A_358 : vector<16xf32>
      %sub3A_360 = arith.subf %add3A_356, %mul3A_359 : vector<16xf32>
      %mul3A_361 = arith.mulf %sub3A_360, %div3A_337 : vector<16xf32>
      %swap3A_362 = arith.index_cast %add3A_216 : i32 to index
      %swap3A_363 = arith.constant 32 : index
      %swap3A_364 = tpu.vector_load %arg10[%swap3A_362, %swap3A_363] {strides = array<i32>} : memref<128x64xf32, #tpu.memory_space<vmem>>, vector<16xf32>,
      tpu.vector_store %arg10[%swap3A_362, %swap3A_363], %mul3A_361 {strides = array<i32>} : memref<128x64xf32, #tpu.memory_space<vmem>>, vector<16xf32>,
      %add3A_365 = arith.addf %scan3A_325#3, %scan3A_325#7 : vector<16xf32>
      %get3A_366 = arith.constant 48 : index
      %get3A_367 = tpu.vector_load %arg11[%get3A_366] {strides = array<i32>} : memref<64xf32, #tpu.memory_space<vmem>>, vector<16xf32>,
      %mul3A_368 = arith.mulf %broadcast_in_dim3A_328, %get3A_367 : vector<16xf32>
      %sub3A_369 = arith.subf %add3A_365, %mul3A_368 : vector<16xf32>
      %mul3A_370 = arith.mulf %sub3A_369, %div3A_337 : vector<16xf32>
      %swap3A_371 = arith.index_cast %add3A_216 : i32 to index
      %swap3A_372 = arith.constant 48 : index
      %swap3A_373 = tpu.vector_load %arg10[%swap3A_371, %swap3A_372] {strides = array<i32>} : memref<128x64xf32, #tpu.memory_space<vmem>>, vector<16xf32>,
      tpu.vector_store %arg10[%swap3A_371, %swap3A_372], %mul3A_370 {strides = array<i32>} : memref<128x64xf32, #tpu.memory_space<vmem>>, vector<16xf32>,
      %mul3A_374 = arith.constant 4 : i32
      %mul3A_375 = arith.muli %scan3A_66, %mul3A_374 : i32
      %add3A_376 = arith.constant 2 : i32
      %add3A_377 = arith.addi %mul3A_375, %add3A_376 : i32
      %add3A_378 = arith.constant 3 : i32
      %add3A_379 = arith.addi %add3A_377, %add3A_378 : i32
      %min3A_380 = arith.constant 127 : i32
      %min3A_381 = arith.minsi %add3A_379, %min3A_380 : i32
      %dma_start3A_382 = arith.constant 0 : i32
      %dma_start3A_383 = arith.constant 0 : i32
      %dma_start3A_384 = tpu.memref_slice %arg7[%dma_start3A_382, %dma_start3A_383] : memref<200x64xf32, #tpu.memory_space<vmem>> -> memref<200x64xf32, #tpu.memory_space<vmem>>
      %dma_start3A_385 = arith.constant 0 : i32
      %dma_start3A_386 = tpu.memref_slice %arg5[%min3A_381, %dma_start3A_385] : memref<128x200xi32, #tpu.memory_space<vmem>> -> memref<1x200xi32, #tpu.memory_space<vmem>>
      %dma_start3A_387 = tpu.memref_squeeze %dma_start3A_386 : memref<1x200xi32, #tpu.memory_space<vmem>> -> memref<200xi32, #tpu.memory_space<vmem>>
      %dma_start3A_388 = arith.constant 0 : i32
      %dma_start3A_389 = arith.constant 0 : i32
      %dma_start3A_390 = tpu.memref_slice %arg3[%dma_start3A_388, %dma_start3A_389] : memref<100000x64xf32, #tpu.memory_space<hbm>> -> memref<100000x64xf32, #tpu.memory_space<hbm>>
      tpu.enqueue_indirect_dma source(%dma_start3A_390 : memref<100000x64xf32, #tpu.memory_space<hbm>>) target(%dma_start3A_384 : memref<200x64xf32, #tpu.memory_space<vmem>>) offsets(%dma_start3A_387 : memref<200xi32, #tpu.memory_space<vmem>>) semaphore(%arg13 : memref<!tpu.dma_semaphore, #tpu.memory_space<semaphore_mem>>)
      %broadcast_in_dim3A_391 = arith.constant 0 : i32
      %broadcast_in_dim3A_392 = vector.broadcast %broadcast_in_dim3A_391 : i32 to vector<16xi32>
      %broadcast_in_dim3A_393 = arith.constant 1 : i32
      %broadcast_in_dim3A_394 = vector.broadcast %broadcast_in_dim3A_393 : i32 to vector<16xi32>
      %scan3A_395 = arith.constant 0 : i32
      %scan3A_396 = arith.constant 11 : i32
      %scan3A_397 = arith.addi %scan3A_395, %scan3A_396 : i32
      %scan3A_398 = arith.constant 1 : i32
      %scan3A_399 = scf.for %scan3A_696 = %scan3A_395 to %scan3A_397 step %scan3A_398 iter_args(%scan3A_697 = %broadcast_in_dim3A_392) -> (vector<16xi32>)  : i32 {
        %mul3A_698 = arith.constant 16 : i32
        %mul3A_699 = arith.muli %scan3A_696, %mul3A_698 : i32
        %get3A_700 = arith.index_cast %add3A_377 : i32 to index
        %get3A_701 = arith.index_cast %mul3A_699 : i32 to index
        %get3A_702 = tpu.vector_load %arg5[%get3A_700, %get3A_701] {strides = array<i32>} : memref<128x200xi32, #tpu.memory_space<vmem>>, vector<16xi32>,
        %eq3A_703 = arith.constant 0 : i32
        %eq3A_704 = vector.broadcast %eq3A_703 : i32 to vector<16xi32>
        %eq3A_705 = arith.cmpi eq, %get3A_702, %eq3A_704 : vector<16xi32>
        %select_n3A_706 = arith.select %eq3A_705, %broadcast_in_dim3A_394, %broadcast_in_dim3A_392 : vector<16xi1>, vector<16xi32>
        %add3A_707 = arith.addi %scan3A_697, %select_n3A_706 : vector<16xi32>
        scf.yield %add3A_707 : vector<16xi32>
      }
      %scan3A_400 = arith.constant 11 : i32
      %get3A_401 = arith.index_cast %add3A_377 : i32 to index
      %get3A_402 = arith.constant 176 : index
      %get3A_403 = tpu.vector_load %arg5[%get3A_401, %get3A_402] {strides = array<i32>} : memref<128x200xi32, #tpu.memory_space<vmem>>, vector<16xi32>,
      %eq3A_404 = arith.constant 0 : i32
      %eq3A_405 = vector.broadcast %eq3A_404 : i32 to vector<16xi32>
      %eq3A_406 = arith.cmpi eq, %get3A_403, %eq3A_405 : vector<16xi32>
      %select_n3A_407 = arith.select %eq3A_406, %broadcast_in_dim3A_394, %broadcast_in_dim3A_392 : vector<16xi1>, vector<16xi32>
      %add3A_408 = arith.addi %scan3A_399, %select_n3A_407 : vector<16xi32>
      %iota3A_409 = tpu.iota {dimensions = array<i32: 0>} : vector<16xi32>
      %get3A_410 = arith.index_cast %add3A_377 : i32 to index
      %get3A_411 = arith.constant 184 : index
      %get3A_412 = tpu.vector_load %arg5[%get3A_410, %get3A_411] {strides = array<i32>} : memref<128x200xi32, #tpu.memory_space<vmem>>, vector<16xi32>,
      %eq3A_413 = arith.constant 0 : i32
      %eq3A_414 = vector.broadcast %eq3A_413 : i32 to vector<16xi32>
      %eq3A_415 = arith.cmpi eq, %get3A_412, %eq3A_414 : vector<16xi32>
      %ge3A_416 = arith.constant 8 : i32
      %ge3A_417 = vector.broadcast %ge3A_416 : i32 to vector<16xi32>
      %ge3A_418 = arith.cmpi sge, %iota3A_409, %ge3A_417 : vector<16xi32>
      %and3A_419 = arith.andi %eq3A_415, %ge3A_418 : vector<16xi1>
      %select_n3A_420 = arith.select %and3A_419, %broadcast_in_dim3A_394, %broadcast_in_dim3A_392 : vector<16xi1>, vector<16xi32>
      %add3A_421 = arith.addi %add3A_408, %select_n3A_420 : vector<16xi32>
      %slice3A_422 = vector.extract_strided_slice %add3A_421 {offsets = [0], sizes = [1], strides = [1]} : vector<16xi32> to vector<1xi32>
      %squeeze3A_423 = vector.extract %slice3A_422[0] : i32 from vector<1xi32>
      %add3A_424 = arith.constant 0 : i32
      %add3A_425 = arith.addi %add3A_424, %squeeze3A_423 : i32
      %slice3A_426 = vector.extract_strided_slice %add3A_421 {offsets = [1], sizes = [1], strides = [1]} : vector<16xi32> to vector<1xi32>
      %squeeze3A_427 = vector.extract %slice3A_426[0] : i32 from vector<1xi32>
      %add3A_428 = arith.addi %add3A_425, %squeeze3A_427 : i32
      %slice3A_429 = vector.extract_strided_slice %add3A_421 {offsets = [2], sizes = [1], strides = [1]} : vector<16xi32> to vector<1xi32>
      %squeeze3A_430 = vector.extract %slice3A_429[0] : i32 from vector<1xi32>
      %add3A_431 = arith.addi %add3A_428, %squeeze3A_430 : i32
      %slice3A_432 = vector.extract_strided_slice %add3A_421 {offsets = [3], sizes = [1], strides = [1]} : vector<16xi32> to vector<1xi32>
      %squeeze3A_433 = vector.extract %slice3A_432[0] : i32 from vector<1xi32>
      %add3A_434 = arith.addi %add3A_431, %squeeze3A_433 : i32
      %slice3A_435 = vector.extract_strided_slice %add3A_421 {offsets = [4], sizes = [1], strides = [1]} : vector<16xi32> to vector<1xi32>
      %squeeze3A_436 = vector.extract %slice3A_435[0] : i32 from vector<1xi32>
      %add3A_437 = arith.addi %add3A_434, %squeeze3A_436 : i32
      %slice3A_438 = vector.extract_strided_slice %add3A_421 {offsets = [5], sizes = [1], strides = [1]} : vector<16xi32> to vector<1xi32>
      %squeeze3A_439 = vector.extract %slice3A_438[0] : i32 from vector<1xi32>
      %add3A_440 = arith.addi %add3A_437, %squeeze3A_439 : i32
      %slice3A_441 = vector.extract_strided_slice %add3A_421 {offsets = [6], sizes = [1], strides = [1]} : vector<16xi32> to vector<1xi32>
      %squeeze3A_442 = vector.extract %slice3A_441[0] : i32 from vector<1xi32>
      %add3A_443 = arith.addi %add3A_440, %squeeze3A_442 : i32
      %slice3A_444 = vector.extract_strided_slice %add3A_421 {offsets = [7], sizes = [1], strides = [1]} : vector<16xi32> to vector<1xi32>
      %squeeze3A_445 = vector.extract %slice3A_444[0] : i32 from vector<1xi32>
      %add3A_446 = arith.addi %add3A_443, %squeeze3A_445 : i32
      %slice3A_447 = vector.extract_strided_slice %add3A_421 {offsets = [8], sizes = [1], strides = [1]} : vector<16xi32> to vector<1xi32>
      %squeeze3A_448 = vector.extract %slice3A_447[0] : i32 from vector<1xi32>
      %add3A_449 = arith.addi %add3A_446, %squeeze3A_448 : i32
      %slice3A_450 = vector.extract_strided_slice %add3A_421 {offsets = [9], sizes = [1], strides = [1]} : vector<16xi32> to vector<1xi32>
      %squeeze3A_451 = vector.extract %slice3A_450[0] : i32 from vector<1xi32>
      %add3A_452 = arith.addi %add3A_449, %squeeze3A_451 : i32
      %slice3A_453 = vector.extract_strided_slice %add3A_421 {offsets = [10], sizes = [1], strides = [1]} : vector<16xi32> to vector<1xi32>
      %squeeze3A_454 = vector.extract %slice3A_453[0] : i32 from vector<1xi32>
      %add3A_455 = arith.addi %add3A_452, %squeeze3A_454 : i32
      %slice3A_456 = vector.extract_strided_slice %add3A_421 {offsets = [11], sizes = [1], strides = [1]} : vector<16xi32> to vector<1xi32>
      %squeeze3A_457 = vector.extract %slice3A_456[0] : i32 from vector<1xi32>
      %add3A_458 = arith.addi %add3A_455, %squeeze3A_457 : i32
      %slice3A_459 = vector.extract_strided_slice %add3A_421 {offsets = [12], sizes = [1], strides = [1]} : vector<16xi32> to vector<1xi32>
      %squeeze3A_460 = vector.extract %slice3A_459[0] : i32 from vector<1xi32>
      %add3A_461 = arith.addi %add3A_458, %squeeze3A_460 : i32
      %slice3A_462 = vector.extract_strided_slice %add3A_421 {offsets = [13], sizes = [1], strides = [1]} : vector<16xi32> to vector<1xi32>
      %squeeze3A_463 = vector.extract %slice3A_462[0] : i32 from vector<1xi32>
      %add3A_464 = arith.addi %add3A_461, %squeeze3A_463 : i32
      %slice3A_465 = vector.extract_strided_slice %add3A_421 {offsets = [14], sizes = [1], strides = [1]} : vector<16xi32> to vector<1xi32>
      %squeeze3A_466 = vector.extract %slice3A_465[0] : i32 from vector<1xi32>
      %add3A_467 = arith.addi %add3A_464, %squeeze3A_466 : i32
      %slice3A_468 = vector.extract_strided_slice %add3A_421 {offsets = [15], sizes = [1], strides = [1]} : vector<16xi32> to vector<1xi32>
      %squeeze3A_469 = vector.extract %slice3A_468[0] : i32 from vector<1xi32>
      %add3A_470 = arith.addi %add3A_467, %squeeze3A_469 : i32
      %dma_wait3A_471 = arith.constant 0 : i32
      %dma_wait3A_472 = arith.constant 0 : i32
      %dma_wait3A_473 = tpu.memref_slice %arg8[%dma_wait3A_471, %dma_wait3A_472] : memref<200x64xf32, #tpu.memory_space<vmem>> -> memref<200x64xf32, #tpu.memory_space<vmem>>
      %dma_wait3A_474 = arith.constant 0 : i32
      %dma_wait3A_475 = tpu.memref_slice %arg5[%add3A_377, %dma_wait3A_474] : memref<128x200xi32, #tpu.memory_space<vmem>> -> memref<1x200xi32, #tpu.memory_space<vmem>>
      %dma_wait3A_476 = tpu.memref_squeeze %dma_wait3A_475 : memref<1x200xi32, #tpu.memory_space<vmem>> -> memref<200xi32, #tpu.memory_space<vmem>>
      %dma_wait3A_477 = arith.constant 0 : i32
      %dma_wait3A_478 = arith.constant 0 : i32
      %dma_wait3A_479 = tpu.memref_slice %arg3[%dma_wait3A_477, %dma_wait3A_478] : memref<100000x64xf32, #tpu.memory_space<hbm>> -> memref<100000x64xf32, #tpu.memory_space<hbm>>
      tpu.wait_indirect_dma semaphore(%arg14 : memref<!tpu.dma_semaphore, #tpu.memory_space<semaphore_mem>>) src(%dma_wait3A_479 : memref<100000x64xf32, #tpu.memory_space<hbm>>) dst(%dma_wait3A_473 : memref<200x64xf32, #tpu.memory_space<vmem>>)
      %broadcast_in_dim3A_480 = arith.constant 0.000000e+00 : f32
      %broadcast_in_dim3A_481 = vector.broadcast %broadcast_in_dim3A_480 : f32 to vector<16xf32>
      %scan3A_482 = arith.constant 0 : i32
      %scan3A_483 = arith.constant 25 : i32
      %scan3A_484 = arith.addi %scan3A_482, %scan3A_483 : i32
      %scan3A_485 = arith.constant 1 : i32
      %scan3A_486:8 = scf.for %scan3A_696 = %scan3A_482 to %scan3A_484 step %scan3A_485 iter_args(%scan3A_697 = %broadcast_in_dim3A_481, %scan3A_698 = %broadcast_in_dim3A_481, %scan3A_699 = %broadcast_in_dim3A_481, %scan3A_700 = %broadcast_in_dim3A_481, %scan3A_701 = %broadcast_in_dim3A_481, %scan3A_702 = %broadcast_in_dim3A_481, %scan3A_703 = %broadcast_in_dim3A_481, %scan3A_704 = %broadcast_in_dim3A_481) -> (vector<16xf32>, vector<16xf32>, vector<16xf32>, vector<16xf32>, vector<16xf32>, vector<16xf32>, vector<16xf32>, vector<16xf32>)  : i32 {
        %mul3A_705 = arith.constant 8 : i32
        %mul3A_706 = arith.muli %scan3A_696, %mul3A_705 : i32
        %add3A_707 = arith.constant 0 : i32
        %add3A_708 = arith.addi %mul3A_706, %add3A_707 : i32
        %get3A_709 = arith.index_cast %add3A_708 : i32 to index
        %get3A_710 = arith.constant 0 : index
        %get3A_711 = tpu.vector_load %arg8[%get3A_709, %get3A_710] {strides = array<i32>} : memref<200x64xf32, #tpu.memory_space<vmem>>, vector<16xf32>,
        %add3A_712 = arith.addf %scan3A_697, %get3A_711 : vector<16xf32>
        %get3A_713 = arith.index_cast %add3A_708 : i32 to index
        %get3A_714 = arith.constant 16 : index
        %get3A_715 = tpu.vector_load %arg8[%get3A_713, %get3A_714] {strides = array<i32>} : memref<200x64xf32, #tpu.memory_space<vmem>>, vector<16xf32>,
        %add3A_716 = arith.addf %scan3A_698, %get3A_715 : vector<16xf32>
        %get3A_717 = arith.index_cast %add3A_708 : i32 to index
        %get3A_718 = arith.constant 32 : index
        %get3A_719 = tpu.vector_load %arg8[%get3A_717, %get3A_718] {strides = array<i32>} : memref<200x64xf32, #tpu.memory_space<vmem>>, vector<16xf32>,
        %add3A_720 = arith.addf %scan3A_699, %get3A_719 : vector<16xf32>
        %get3A_721 = arith.index_cast %add3A_708 : i32 to index
        %get3A_722 = arith.constant 48 : index
        %get3A_723 = tpu.vector_load %arg8[%get3A_721, %get3A_722] {strides = array<i32>} : memref<200x64xf32, #tpu.memory_space<vmem>>, vector<16xf32>,
        %add3A_724 = arith.addf %scan3A_700, %get3A_723 : vector<16xf32>
        %mul3A_725 = arith.constant 8 : i32
        %mul3A_726 = arith.muli %scan3A_696, %mul3A_725 : i32
        %add3A_727 = arith.constant 1 : i32
        %add3A_728 = arith.addi %mul3A_726, %add3A_727 : i32
        %get3A_729 = arith.index_cast %add3A_728 : i32 to index
        %get3A_730 = arith.constant 0 : index
        %get3A_731 = tpu.vector_load %arg8[%get3A_729, %get3A_730] {strides = array<i32>} : memref<200x64xf32, #tpu.memory_space<vmem>>, vector<16xf32>,
        %add3A_732 = arith.addf %scan3A_701, %get3A_731 : vector<16xf32>
        %get3A_733 = arith.index_cast %add3A_728 : i32 to index
        %get3A_734 = arith.constant 16 : index
        %get3A_735 = tpu.vector_load %arg8[%get3A_733, %get3A_734] {strides = array<i32>} : memref<200x64xf32, #tpu.memory_space<vmem>>, vector<16xf32>,
        %add3A_736 = arith.addf %scan3A_702, %get3A_735 : vector<16xf32>
        %get3A_737 = arith.index_cast %add3A_728 : i32 to index
        %get3A_738 = arith.constant 32 : index
        %get3A_739 = tpu.vector_load %arg8[%get3A_737, %get3A_738] {strides = array<i32>} : memref<200x64xf32, #tpu.memory_space<vmem>>, vector<16xf32>,
        %add3A_740 = arith.addf %scan3A_703, %get3A_739 : vector<16xf32>
        %get3A_741 = arith.index_cast %add3A_728 : i32 to index
        %get3A_742 = arith.constant 48 : index
        %get3A_743 = tpu.vector_load %arg8[%get3A_741, %get3A_742] {strides = array<i32>} : memref<200x64xf32, #tpu.memory_space<vmem>>, vector<16xf32>,
        %add3A_744 = arith.addf %scan3A_704, %get3A_743 : vector<16xf32>
        %mul3A_745 = arith.constant 8 : i32
        %mul3A_746 = arith.muli %scan3A_696, %mul3A_745 : i32
        %add3A_747 = arith.constant 2 : i32
        %add3A_748 = arith.addi %mul3A_746, %add3A_747 : i32
        %get3A_749 = arith.index_cast %add3A_748 : i32 to index
        %get3A_750 = arith.constant 0 : index
        %get3A_751 = tpu.vector_load %arg8[%get3A_749, %get3A_750] {strides = array<i32>} : memref<200x64xf32, #tpu.memory_space<vmem>>, vector<16xf32>,
        %add3A_752 = arith.addf %add3A_712, %get3A_751 : vector<16xf32>
        %get3A_753 = arith.index_cast %add3A_748 : i32 to index
        %get3A_754 = arith.constant 16 : index
        %get3A_755 = tpu.vector_load %arg8[%get3A_753, %get3A_754] {strides = array<i32>} : memref<200x64xf32, #tpu.memory_space<vmem>>, vector<16xf32>,
        %add3A_756 = arith.addf %add3A_716, %get3A_755 : vector<16xf32>
        %get3A_757 = arith.index_cast %add3A_748 : i32 to index
        %get3A_758 = arith.constant 32 : index
        %get3A_759 = tpu.vector_load %arg8[%get3A_757, %get3A_758] {strides = array<i32>} : memref<200x64xf32, #tpu.memory_space<vmem>>, vector<16xf32>,
        %add3A_760 = arith.addf %add3A_720, %get3A_759 : vector<16xf32>
        %get3A_761 = arith.index_cast %add3A_748 : i32 to index
        %get3A_762 = arith.constant 48 : index
        %get3A_763 = tpu.vector_load %arg8[%get3A_761, %get3A_762] {strides = array<i32>} : memref<200x64xf32, #tpu.memory_space<vmem>>, vector<16xf32>,
        %add3A_764 = arith.addf %add3A_724, %get3A_763 : vector<16xf32>
        %mul3A_765 = arith.constant 8 : i32
        %mul3A_766 = arith.muli %scan3A_696, %mul3A_765 : i32
        %add3A_767 = arith.constant 3 : i32
        %add3A_768 = arith.addi %mul3A_766, %add3A_767 : i32
        %get3A_769 = arith.index_cast %add3A_768 : i32 to index
        %get3A_770 = arith.constant 0 : index
        %get3A_771 = tpu.vector_load %arg8[%get3A_769, %get3A_770] {strides = array<i32>} : memref<200x64xf32, #tpu.memory_space<vmem>>, vector<16xf32>,
        %add3A_772 = arith.addf %add3A_732, %get3A_771 : vector<16xf32>
        %get3A_773 = arith.index_cast %add3A_768 : i32 to index
        %get3A_774 = arith.constant 16 : index
        %get3A_775 = tpu.vector_load %arg8[%get3A_773, %get3A_774] {strides = array<i32>} : memref<200x64xf32, #tpu.memory_space<vmem>>, vector<16xf32>,
        %add3A_776 = arith.addf %add3A_736, %get3A_775 : vector<16xf32>
        %get3A_777 = arith.index_cast %add3A_768 : i32 to index
        %get3A_778 = arith.constant 32 : index
        %get3A_779 = tpu.vector_load %arg8[%get3A_777, %get3A_778] {strides = array<i32>} : memref<200x64xf32, #tpu.memory_space<vmem>>, vector<16xf32>,
        %add3A_780 = arith.addf %add3A_740, %get3A_779 : vector<16xf32>
        %get3A_781 = arith.index_cast %add3A_768 : i32 to index
        %get3A_782 = arith.constant 48 : index
        %get3A_783 = tpu.vector_load %arg8[%get3A_781, %get3A_782] {strides = array<i32>} : memref<200x64xf32, #tpu.memory_space<vmem>>, vector<16xf32>,
        %add3A_784 = arith.addf %add3A_744, %get3A_783 : vector<16xf32>
        %mul3A_785 = arith.constant 8 : i32
        %mul3A_786 = arith.muli %scan3A_696, %mul3A_785 : i32
        %add3A_787 = arith.constant 4 : i32
        %add3A_788 = arith.addi %mul3A_786, %add3A_787 : i32
        %get3A_789 = arith.index_cast %add3A_788 : i32 to index
        %get3A_790 = arith.constant 0 : index
        %get3A_791 = tpu.vector_load %arg8[%get3A_789, %get3A_790] {strides = array<i32>} : memref<200x64xf32, #tpu.memory_space<vmem>>, vector<16xf32>,
        %add3A_792 = arith.addf %add3A_752, %get3A_791 : vector<16xf32>
        %get3A_793 = arith.index_cast %add3A_788 : i32 to index
        %get3A_794 = arith.constant 16 : index
        %get3A_795 = tpu.vector_load %arg8[%get3A_793, %get3A_794] {strides = array<i32>} : memref<200x64xf32, #tpu.memory_space<vmem>>, vector<16xf32>,
        %add3A_796 = arith.addf %add3A_756, %get3A_795 : vector<16xf32>
        %get3A_797 = arith.index_cast %add3A_788 : i32 to index
        %get3A_798 = arith.constant 32 : index
        %get3A_799 = tpu.vector_load %arg8[%get3A_797, %get3A_798] {strides = array<i32>} : memref<200x64xf32, #tpu.memory_space<vmem>>, vector<16xf32>,
        %add3A_800 = arith.addf %add3A_760, %get3A_799 : vector<16xf32>
        %get3A_801 = arith.index_cast %add3A_788 : i32 to index
        %get3A_802 = arith.constant 48 : index
        %get3A_803 = tpu.vector_load %arg8[%get3A_801, %get3A_802] {strides = array<i32>} : memref<200x64xf32, #tpu.memory_space<vmem>>, vector<16xf32>,
        %add3A_804 = arith.addf %add3A_764, %get3A_803 : vector<16xf32>
        %mul3A_805 = arith.constant 8 : i32
        %mul3A_806 = arith.muli %scan3A_696, %mul3A_805 : i32
        %add3A_807 = arith.constant 5 : i32
        %add3A_808 = arith.addi %mul3A_806, %add3A_807 : i32
        %get3A_809 = arith.index_cast %add3A_808 : i32 to index
        %get3A_810 = arith.constant 0 : index
        %get3A_811 = tpu.vector_load %arg8[%get3A_809, %get3A_810] {strides = array<i32>} : memref<200x64xf32, #tpu.memory_space<vmem>>, vector<16xf32>,
        %add3A_812 = arith.addf %add3A_772, %get3A_811 : vector<16xf32>
        %get3A_813 = arith.index_cast %add3A_808 : i32 to index
        %get3A_814 = arith.constant 16 : index
        %get3A_815 = tpu.vector_load %arg8[%get3A_813, %get3A_814] {strides = array<i32>} : memref<200x64xf32, #tpu.memory_space<vmem>>, vector<16xf32>,
        %add3A_816 = arith.addf %add3A_776, %get3A_815 : vector<16xf32>
        %get3A_817 = arith.index_cast %add3A_808 : i32 to index
        %get3A_818 = arith.constant 32 : index
        %get3A_819 = tpu.vector_load %arg8[%get3A_817, %get3A_818] {strides = array<i32>} : memref<200x64xf32, #tpu.memory_space<vmem>>, vector<16xf32>,
        %add3A_820 = arith.addf %add3A_780, %get3A_819 : vector<16xf32>
        %get3A_821 = arith.index_cast %add3A_808 : i32 to index
        %get3A_822 = arith.constant 48 : index
        %get3A_823 = tpu.vector_load %arg8[%get3A_821, %get3A_822] {strides = array<i32>} : memref<200x64xf32, #tpu.memory_space<vmem>>, vector<16xf32>,
        %add3A_824 = arith.addf %add3A_784, %get3A_823 : vector<16xf32>
        %mul3A_825 = arith.constant 8 : i32
        %mul3A_826 = arith.muli %scan3A_696, %mul3A_825 : i32
        %add3A_827 = arith.constant 6 : i32
        %add3A_828 = arith.addi %mul3A_826, %add3A_827 : i32
        %get3A_829 = arith.index_cast %add3A_828 : i32 to index
        %get3A_830 = arith.constant 0 : index
        %get3A_831 = tpu.vector_load %arg8[%get3A_829, %get3A_830] {strides = array<i32>} : memref<200x64xf32, #tpu.memory_space<vmem>>, vector<16xf32>,
        %add3A_832 = arith.addf %add3A_792, %get3A_831 : vector<16xf32>
        %get3A_833 = arith.index_cast %add3A_828 : i32 to index
        %get3A_834 = arith.constant 16 : index
        %get3A_835 = tpu.vector_load %arg8[%get3A_833, %get3A_834] {strides = array<i32>} : memref<200x64xf32, #tpu.memory_space<vmem>>, vector<16xf32>,
        %add3A_836 = arith.addf %add3A_796, %get3A_835 : vector<16xf32>
        %get3A_837 = arith.index_cast %add3A_828 : i32 to index
        %get3A_838 = arith.constant 32 : index
        %get3A_839 = tpu.vector_load %arg8[%get3A_837, %get3A_838] {strides = array<i32>} : memref<200x64xf32, #tpu.memory_space<vmem>>, vector<16xf32>,
        %add3A_840 = arith.addf %add3A_800, %get3A_839 : vector<16xf32>
        %get3A_841 = arith.index_cast %add3A_828 : i32 to index
        %get3A_842 = arith.constant 48 : index
        %get3A_843 = tpu.vector_load %arg8[%get3A_841, %get3A_842] {strides = array<i32>} : memref<200x64xf32, #tpu.memory_space<vmem>>, vector<16xf32>,
        %add3A_844 = arith.addf %add3A_804, %get3A_843 : vector<16xf32>
        %mul3A_845 = arith.constant 8 : i32
        %mul3A_846 = arith.muli %scan3A_696, %mul3A_845 : i32
        %add3A_847 = arith.constant 7 : i32
        %add3A_848 = arith.addi %mul3A_846, %add3A_847 : i32
        %get3A_849 = arith.index_cast %add3A_848 : i32 to index
        %get3A_850 = arith.constant 0 : index
        %get3A_851 = tpu.vector_load %arg8[%get3A_849, %get3A_850] {strides = array<i32>} : memref<200x64xf32, #tpu.memory_space<vmem>>, vector<16xf32>,
        %add3A_852 = arith.addf %add3A_812, %get3A_851 : vector<16xf32>
        %get3A_853 = arith.index_cast %add3A_848 : i32 to index
        %get3A_854 = arith.constant 16 : index
        %get3A_855 = tpu.vector_load %arg8[%get3A_853, %get3A_854] {strides = array<i32>} : memref<200x64xf32, #tpu.memory_space<vmem>>, vector<16xf32>,
        %add3A_856 = arith.addf %add3A_816, %get3A_855 : vector<16xf32>
        %get3A_857 = arith.index_cast %add3A_848 : i32 to index
        %get3A_858 = arith.constant 32 : index
        %get3A_859 = tpu.vector_load %arg8[%get3A_857, %get3A_858] {strides = array<i32>} : memref<200x64xf32, #tpu.memory_space<vmem>>, vector<16xf32>,
        %add3A_860 = arith.addf %add3A_820, %get3A_859 : vector<16xf32>
        %get3A_861 = arith.index_cast %add3A_848 : i32 to index
        %get3A_862 = arith.constant 48 : index
        %get3A_863 = tpu.vector_load %arg8[%get3A_861, %get3A_862] {strides = array<i32>} : memref<200x64xf32, #tpu.memory_space<vmem>>, vector<16xf32>,
        %add3A_864 = arith.addf %add3A_824, %get3A_863 : vector<16xf32>
        scf.yield %add3A_832, %add3A_836, %add3A_840, %add3A_844, %add3A_852, %add3A_856, %add3A_860, %add3A_864 : vector<16xf32>, vector<16xf32>, vector<16xf32>, vector<16xf32>, vector<16xf32>, vector<16xf32>, vector<16xf32>, vector<16xf32>
      }
      %scan3A_487 = arith.constant 25 : i32
      %convert_element_type3A_488 = arith.sitofp %add3A_470 : i32 to f32
      %broadcast_in_dim3A_489 = vector.broadcast %convert_element_type3A_488 : f32 to vector<16xf32>
      %sub3A_490 = arith.constant 2.000000e+02 : f32
      %sub3A_491 = vector.broadcast %sub3A_490 : f32 to vector<16xf32>
      %sub3A_492 = arith.subf %sub3A_491, %broadcast_in_dim3A_489 : vector<16xf32>
      %max3A_493 = arith.constant 1.000000e+00 : f32
      %max3A_494 = vector.broadcast %max3A_493 : f32 to vector<16xf32>
      %max3A_495 = arith.maximumf %sub3A_492, %max3A_494 : vector<16xf32>
      %div3A_496 = arith.constant 1.000000e+00 : f32
      %div3A_497 = vector.broadcast %div3A_496 : f32 to vector<16xf32>
      %div3A_498 = arith.divf %div3A_497, %max3A_495 : vector<16xf32>
      %add3A_499 = arith.addf %scan3A_486#0, %scan3A_486#4 : vector<16xf32>
      %get3A_500 = arith.constant 0 : index
      %get3A_501 = tpu.vector_load %arg11[%get3A_500] {strides = array<i32>} : memref<64xf32, #tpu.memory_space<vmem>>, vector<16xf32>,
      %mul3A_502 = arith.mulf %broadcast_in_dim3A_489, %get3A_501 : vector<16xf32>
      %sub3A_503 = arith.subf %add3A_499, %mul3A_502 : vector<16xf32>
      %mul3A_504 = arith.mulf %sub3A_503, %div3A_498 : vector<16xf32>
      %swap3A_505 = arith.index_cast %add3A_377 : i32 to index
      %swap3A_506 = arith.constant 0 : index
      %swap3A_507 = tpu.vector_load %arg10[%swap3A_505, %swap3A_506] {strides = array<i32>} : memref<128x64xf32, #tpu.memory_space<vmem>>, vector<16xf32>,
      tpu.vector_store %arg10[%swap3A_505, %swap3A_506], %mul3A_504 {strides = array<i32>} : memref<128x64xf32, #tpu.memory_space<vmem>>, vector<16xf32>,
      %add3A_508 = arith.addf %scan3A_486#1, %scan3A_486#5 : vector<16xf32>
      %get3A_509 = arith.constant 16 : index
      %get3A_510 = tpu.vector_load %arg11[%get3A_509] {strides = array<i32>} : memref<64xf32, #tpu.memory_space<vmem>>, vector<16xf32>,
      %mul3A_511 = arith.mulf %broadcast_in_dim3A_489, %get3A_510 : vector<16xf32>
      %sub3A_512 = arith.subf %add3A_508, %mul3A_511 : vector<16xf32>
      %mul3A_513 = arith.mulf %sub3A_512, %div3A_498 : vector<16xf32>
      %swap3A_514 = arith.index_cast %add3A_377 : i32 to index
      %swap3A_515 = arith.constant 16 : index
      %swap3A_516 = tpu.vector_load %arg10[%swap3A_514, %swap3A_515] {strides = array<i32>} : memref<128x64xf32, #tpu.memory_space<vmem>>, vector<16xf32>,
      tpu.vector_store %arg10[%swap3A_514, %swap3A_515], %mul3A_513 {strides = array<i32>} : memref<128x64xf32, #tpu.memory_space<vmem>>, vector<16xf32>,
      %add3A_517 = arith.addf %scan3A_486#2, %scan3A_486#6 : vector<16xf32>
      %get3A_518 = arith.constant 32 : index
      %get3A_519 = tpu.vector_load %arg11[%get3A_518] {strides = array<i32>} : memref<64xf32, #tpu.memory_space<vmem>>, vector<16xf32>,
      %mul3A_520 = arith.mulf %broadcast_in_dim3A_489, %get3A_519 : vector<16xf32>
      %sub3A_521 = arith.subf %add3A_517, %mul3A_520 : vector<16xf32>
      %mul3A_522 = arith.mulf %sub3A_521, %div3A_498 : vector<16xf32>
      %swap3A_523 = arith.index_cast %add3A_377 : i32 to index
      %swap3A_524 = arith.constant 32 : index
      %swap3A_525 = tpu.vector_load %arg10[%swap3A_523, %swap3A_524] {strides = array<i32>} : memref<128x64xf32, #tpu.memory_space<vmem>>, vector<16xf32>,
      tpu.vector_store %arg10[%swap3A_523, %swap3A_524], %mul3A_522 {strides = array<i32>} : memref<128x64xf32, #tpu.memory_space<vmem>>, vector<16xf32>,
      %add3A_526 = arith.addf %scan3A_486#3, %scan3A_486#7 : vector<16xf32>
      %get3A_527 = arith.constant 48 : index
      %get3A_528 = tpu.vector_load %arg11[%get3A_527] {strides = array<i32>} : memref<64xf32, #tpu.memory_space<vmem>>, vector<16xf32>,
      %mul3A_529 = arith.mulf %broadcast_in_dim3A_489, %get3A_528 : vector<16xf32>
      %sub3A_530 = arith.subf %add3A_526, %mul3A_529 : vector<16xf32>
      %mul3A_531 = arith.mulf %sub3A_530, %div3A_498 : vector<16xf32>
      %swap3A_532 = arith.index_cast %add3A_377 : i32 to index
      %swap3A_533 = arith.constant 48 : index
      %swap3A_534 = tpu.vector_load %arg10[%swap3A_532, %swap3A_533] {strides = array<i32>} : memref<128x64xf32, #tpu.memory_space<vmem>>, vector<16xf32>,
      tpu.vector_store %arg10[%swap3A_532, %swap3A_533], %mul3A_531 {strides = array<i32>} : memref<128x64xf32, #tpu.memory_space<vmem>>, vector<16xf32>,
      %mul3A_535 = arith.constant 4 : i32
      %mul3A_536 = arith.muli %scan3A_66, %mul3A_535 : i32
      %add3A_537 = arith.constant 3 : i32
      %add3A_538 = arith.addi %mul3A_536, %add3A_537 : i32
      %add3A_539 = arith.constant 3 : i32
      %add3A_540 = arith.addi %add3A_538, %add3A_539 : i32
      %min3A_541 = arith.constant 127 : i32
      %min3A_542 = arith.minsi %add3A_540, %min3A_541 : i32
      %dma_start3A_543 = arith.constant 0 : i32
      %dma_start3A_544 = arith.constant 0 : i32
      %dma_start3A_545 = tpu.memref_slice %arg8[%dma_start3A_543, %dma_start3A_544] : memref<200x64xf32, #tpu.memory_space<vmem>> -> memref<200x64xf32, #tpu.memory_space<vmem>>
      %dma_start3A_546 = arith.constant 0 : i32
      %dma_start3A_547 = tpu.memref_slice %arg5[%min3A_542, %dma_start3A_546] : memref<128x200xi32, #tpu.memory_space<vmem>> -> memref<1x200xi32, #tpu.memory_space<vmem>>
      %dma_start3A_548 = tpu.memref_squeeze %dma_start3A_547 : memref<1x200xi32, #tpu.memory_space<vmem>> -> memref<200xi32, #tpu.memory_space<vmem>>
      %dma_start3A_549 = arith.constant 0 : i32
      %dma_start3A_550 = arith.constant 0 : i32
      %dma_start3A_551 = tpu.memref_slice %arg3[%dma_start3A_549, %dma_start3A_550] : memref<100000x64xf32, #tpu.memory_space<hbm>> -> memref<100000x64xf32, #tpu.memory_space<hbm>>
      tpu.enqueue_indirect_dma source(%dma_start3A_551 : memref<100000x64xf32, #tpu.memory_space<hbm>>) target(%dma_start3A_545 : memref<200x64xf32, #tpu.memory_space<vmem>>) offsets(%dma_start3A_548 : memref<200xi32, #tpu.memory_space<vmem>>) semaphore(%arg14 : memref<!tpu.dma_semaphore, #tpu.memory_space<semaphore_mem>>)
      %broadcast_in_dim3A_552 = arith.constant 0 : i32
      %broadcast_in_dim3A_553 = vector.broadcast %broadcast_in_dim3A_552 : i32 to vector<16xi32>
      %broadcast_in_dim3A_554 = arith.constant 1 : i32
      %broadcast_in_dim3A_555 = vector.broadcast %broadcast_in_dim3A_554 : i32 to vector<16xi32>
      %scan3A_556 = arith.constant 0 : i32
      %scan3A_557 = arith.constant 11 : i32
      %scan3A_558 = arith.addi %scan3A_556, %scan3A_557 : i32
      %scan3A_559 = arith.constant 1 : i32
      %scan3A_560 = scf.for %scan3A_696 = %scan3A_556 to %scan3A_558 step %scan3A_559 iter_args(%scan3A_697 = %broadcast_in_dim3A_553) -> (vector<16xi32>)  : i32 {
        %mul3A_698 = arith.constant 16 : i32
        %mul3A_699 = arith.muli %scan3A_696, %mul3A_698 : i32
        %get3A_700 = arith.index_cast %add3A_538 : i32 to index
        %get3A_701 = arith.index_cast %mul3A_699 : i32 to index
        %get3A_702 = tpu.vector_load %arg5[%get3A_700, %get3A_701] {strides = array<i32>} : memref<128x200xi32, #tpu.memory_space<vmem>>, vector<16xi32>,
        %eq3A_703 = arith.constant 0 : i32
        %eq3A_704 = vector.broadcast %eq3A_703 : i32 to vector<16xi32>
        %eq3A_705 = arith.cmpi eq, %get3A_702, %eq3A_704 : vector<16xi32>
        %select_n3A_706 = arith.select %eq3A_705, %broadcast_in_dim3A_555, %broadcast_in_dim3A_553 : vector<16xi1>, vector<16xi32>
        %add3A_707 = arith.addi %scan3A_697, %select_n3A_706 : vector<16xi32>
        scf.yield %add3A_707 : vector<16xi32>
      }
      %scan3A_561 = arith.constant 11 : i32
      %get3A_562 = arith.index_cast %add3A_538 : i32 to index
      %get3A_563 = arith.constant 176 : index
      %get3A_564 = tpu.vector_load %arg5[%get3A_562, %get3A_563] {strides = array<i32>} : memref<128x200xi32, #tpu.memory_space<vmem>>, vector<16xi32>,
      %eq3A_565 = arith.constant 0 : i32
      %eq3A_566 = vector.broadcast %eq3A_565 : i32 to vector<16xi32>
      %eq3A_567 = arith.cmpi eq, %get3A_564, %eq3A_566 : vector<16xi32>
      %select_n3A_568 = arith.select %eq3A_567, %broadcast_in_dim3A_555, %broadcast_in_dim3A_553 : vector<16xi1>, vector<16xi32>
      %add3A_569 = arith.addi %scan3A_560, %select_n3A_568 : vector<16xi32>
      %iota3A_570 = tpu.iota {dimensions = array<i32: 0>} : vector<16xi32>
      %get3A_571 = arith.index_cast %add3A_538 : i32 to index
      %get3A_572 = arith.constant 184 : index
      %get3A_573 = tpu.vector_load %arg5[%get3A_571, %get3A_572] {strides = array<i32>} : memref<128x200xi32, #tpu.memory_space<vmem>>, vector<16xi32>,
      %eq3A_574 = arith.constant 0 : i32
      %eq3A_575 = vector.broadcast %eq3A_574 : i32 to vector<16xi32>
      %eq3A_576 = arith.cmpi eq, %get3A_573, %eq3A_575 : vector<16xi32>
      %ge3A_577 = arith.constant 8 : i32
      %ge3A_578 = vector.broadcast %ge3A_577 : i32 to vector<16xi32>
      %ge3A_579 = arith.cmpi sge, %iota3A_570, %ge3A_578 : vector<16xi32>
      %and3A_580 = arith.andi %eq3A_576, %ge3A_579 : vector<16xi1>
      %select_n3A_581 = arith.select %and3A_580, %broadcast_in_dim3A_555, %broadcast_in_dim3A_553 : vector<16xi1>, vector<16xi32>
      %add3A_582 = arith.addi %add3A_569, %select_n3A_581 : vector<16xi32>
      %slice3A_583 = vector.extract_strided_slice %add3A_582 {offsets = [0], sizes = [1], strides = [1]} : vector<16xi32> to vector<1xi32>
      %squeeze3A_584 = vector.extract %slice3A_583[0] : i32 from vector<1xi32>
      %add3A_585 = arith.constant 0 : i32
      %add3A_586 = arith.addi %add3A_585, %squeeze3A_584 : i32
      %slice3A_587 = vector.extract_strided_slice %add3A_582 {offsets = [1], sizes = [1], strides = [1]} : vector<16xi32> to vector<1xi32>
      %squeeze3A_588 = vector.extract %slice3A_587[0] : i32 from vector<1xi32>
      %add3A_589 = arith.addi %add3A_586, %squeeze3A_588 : i32
      %slice3A_590 = vector.extract_strided_slice %add3A_582 {offsets = [2], sizes = [1], strides = [1]} : vector<16xi32> to vector<1xi32>
      %squeeze3A_591 = vector.extract %slice3A_590[0] : i32 from vector<1xi32>
      %add3A_592 = arith.addi %add3A_589, %squeeze3A_591 : i32
      %slice3A_593 = vector.extract_strided_slice %add3A_582 {offsets = [3], sizes = [1], strides = [1]} : vector<16xi32> to vector<1xi32>
      %squeeze3A_594 = vector.extract %slice3A_593[0] : i32 from vector<1xi32>
      %add3A_595 = arith.addi %add3A_592, %squeeze3A_594 : i32
      %slice3A_596 = vector.extract_strided_slice %add3A_582 {offsets = [4], sizes = [1], strides = [1]} : vector<16xi32> to vector<1xi32>
      %squeeze3A_597 = vector.extract %slice3A_596[0] : i32 from vector<1xi32>
      %add3A_598 = arith.addi %add3A_595, %squeeze3A_597 : i32
      %slice3A_599 = vector.extract_strided_slice %add3A_582 {offsets = [5], sizes = [1], strides = [1]} : vector<16xi32> to vector<1xi32>
      %squeeze3A_600 = vector.extract %slice3A_599[0] : i32 from vector<1xi32>
      %add3A_601 = arith.addi %add3A_598, %squeeze3A_600 : i32
      %slice3A_602 = vector.extract_strided_slice %add3A_582 {offsets = [6], sizes = [1], strides = [1]} : vector<16xi32> to vector<1xi32>
      %squeeze3A_603 = vector.extract %slice3A_602[0] : i32 from vector<1xi32>
      %add3A_604 = arith.addi %add3A_601, %squeeze3A_603 : i32
      %slice3A_605 = vector.extract_strided_slice %add3A_582 {offsets = [7], sizes = [1], strides = [1]} : vector<16xi32> to vector<1xi32>
      %squeeze3A_606 = vector.extract %slice3A_605[0] : i32 from vector<1xi32>
      %add3A_607 = arith.addi %add3A_604, %squeeze3A_606 : i32
      %slice3A_608 = vector.extract_strided_slice %add3A_582 {offsets = [8], sizes = [1], strides = [1]} : vector<16xi32> to vector<1xi32>
      %squeeze3A_609 = vector.extract %slice3A_608[0] : i32 from vector<1xi32>
      %add3A_610 = arith.addi %add3A_607, %squeeze3A_609 : i32
      %slice3A_611 = vector.extract_strided_slice %add3A_582 {offsets = [9], sizes = [1], strides = [1]} : vector<16xi32> to vector<1xi32>
      %squeeze3A_612 = vector.extract %slice3A_611[0] : i32 from vector<1xi32>
      %add3A_613 = arith.addi %add3A_610, %squeeze3A_612 : i32
      %slice3A_614 = vector.extract_strided_slice %add3A_582 {offsets = [10], sizes = [1], strides = [1]} : vector<16xi32> to vector<1xi32>
      %squeeze3A_615 = vector.extract %slice3A_614[0] : i32 from vector<1xi32>
      %add3A_616 = arith.addi %add3A_613, %squeeze3A_615 : i32
      %slice3A_617 = vector.extract_strided_slice %add3A_582 {offsets = [11], sizes = [1], strides = [1]} : vector<16xi32> to vector<1xi32>
      %squeeze3A_618 = vector.extract %slice3A_617[0] : i32 from vector<1xi32>
      %add3A_619 = arith.addi %add3A_616, %squeeze3A_618 : i32
      %slice3A_620 = vector.extract_strided_slice %add3A_582 {offsets = [12], sizes = [1], strides = [1]} : vector<16xi32> to vector<1xi32>
      %squeeze3A_621 = vector.extract %slice3A_620[0] : i32 from vector<1xi32>
      %add3A_622 = arith.addi %add3A_619, %squeeze3A_621 : i32
      %slice3A_623 = vector.extract_strided_slice %add3A_582 {offsets = [13], sizes = [1], strides = [1]} : vector<16xi32> to vector<1xi32>
      %squeeze3A_624 = vector.extract %slice3A_623[0] : i32 from vector<1xi32>
      %add3A_625 = arith.addi %add3A_622, %squeeze3A_624 : i32
      %slice3A_626 = vector.extract_strided_slice %add3A_582 {offsets = [14], sizes = [1], strides = [1]} : vector<16xi32> to vector<1xi32>
      %squeeze3A_627 = vector.extract %slice3A_626[0] : i32 from vector<1xi32>
      %add3A_628 = arith.addi %add3A_625, %squeeze3A_627 : i32
      %slice3A_629 = vector.extract_strided_slice %add3A_582 {offsets = [15], sizes = [1], strides = [1]} : vector<16xi32> to vector<1xi32>
      %squeeze3A_630 = vector.extract %slice3A_629[0] : i32 from vector<1xi32>
      %add3A_631 = arith.addi %add3A_628, %squeeze3A_630 : i32
      %dma_wait3A_632 = arith.constant 0 : i32
      %dma_wait3A_633 = arith.constant 0 : i32
      %dma_wait3A_634 = tpu.memref_slice %arg9[%dma_wait3A_632, %dma_wait3A_633] : memref<200x64xf32, #tpu.memory_space<vmem>> -> memref<200x64xf32, #tpu.memory_space<vmem>>
      %dma_wait3A_635 = arith.constant 0 : i32
      %dma_wait3A_636 = tpu.memref_slice %arg5[%add3A_538, %dma_wait3A_635] : memref<128x200xi32, #tpu.memory_space<vmem>> -> memref<1x200xi32, #tpu.memory_space<vmem>>
      %dma_wait3A_637 = tpu.memref_squeeze %dma_wait3A_636 : memref<1x200xi32, #tpu.memory_space<vmem>> -> memref<200xi32, #tpu.memory_space<vmem>>
      %dma_wait3A_638 = arith.constant 0 : i32
      %dma_wait3A_639 = arith.constant 0 : i32
      %dma_wait3A_640 = tpu.memref_slice %arg3[%dma_wait3A_638, %dma_wait3A_639] : memref<100000x64xf32, #tpu.memory_space<hbm>> -> memref<100000x64xf32, #tpu.memory_space<hbm>>
      tpu.wait_indirect_dma semaphore(%arg15 : memref<!tpu.dma_semaphore, #tpu.memory_space<semaphore_mem>>) src(%dma_wait3A_640 : memref<100000x64xf32, #tpu.memory_space<hbm>>) dst(%dma_wait3A_634 : memref<200x64xf32, #tpu.memory_space<vmem>>)
      %broadcast_in_dim3A_641 = arith.constant 0.000000e+00 : f32
      %broadcast_in_dim3A_642 = vector.broadcast %broadcast_in_dim3A_641 : f32 to vector<16xf32>
      %scan3A_643 = arith.constant 0 : i32
      %scan3A_644 = arith.constant 25 : i32
      %scan3A_645 = arith.addi %scan3A_643, %scan3A_644 : i32
      %scan3A_646 = arith.constant 1 : i32
      %scan3A_647:8 = scf.for %scan3A_696 = %scan3A_643 to %scan3A_645 step %scan3A_646 iter_args(%scan3A_697 = %broadcast_in_dim3A_642, %scan3A_698 = %broadcast_in_dim3A_642, %scan3A_699 = %broadcast_in_dim3A_642, %scan3A_700 = %broadcast_in_dim3A_642, %scan3A_701 = %broadcast_in_dim3A_642, %scan3A_702 = %broadcast_in_dim3A_642, %scan3A_703 = %broadcast_in_dim3A_642, %scan3A_704 = %broadcast_in_dim3A_642) -> (vector<16xf32>, vector<16xf32>, vector<16xf32>, vector<16xf32>, vector<16xf32>, vector<16xf32>, vector<16xf32>, vector<16xf32>)  : i32 {
        %mul3A_705 = arith.constant 8 : i32
        %mul3A_706 = arith.muli %scan3A_696, %mul3A_705 : i32
        %add3A_707 = arith.constant 0 : i32
        %add3A_708 = arith.addi %mul3A_706, %add3A_707 : i32
        %get3A_709 = arith.index_cast %add3A_708 : i32 to index
        %get3A_710 = arith.constant 0 : index
        %get3A_711 = tpu.vector_load %arg9[%get3A_709, %get3A_710] {strides = array<i32>} : memref<200x64xf32, #tpu.memory_space<vmem>>, vector<16xf32>,
        %add3A_712 = arith.addf %scan3A_697, %get3A_711 : vector<16xf32>
        %get3A_713 = arith.index_cast %add3A_708 : i32 to index
        %get3A_714 = arith.constant 16 : index
        %get3A_715 = tpu.vector_load %arg9[%get3A_713, %get3A_714] {strides = array<i32>} : memref<200x64xf32, #tpu.memory_space<vmem>>, vector<16xf32>,
        %add3A_716 = arith.addf %scan3A_698, %get3A_715 : vector<16xf32>
        %get3A_717 = arith.index_cast %add3A_708 : i32 to index
        %get3A_718 = arith.constant 32 : index
        %get3A_719 = tpu.vector_load %arg9[%get3A_717, %get3A_718] {strides = array<i32>} : memref<200x64xf32, #tpu.memory_space<vmem>>, vector<16xf32>,
        %add3A_720 = arith.addf %scan3A_699, %get3A_719 : vector<16xf32>
        %get3A_721 = arith.index_cast %add3A_708 : i32 to index
        %get3A_722 = arith.constant 48 : index
        %get3A_723 = tpu.vector_load %arg9[%get3A_721, %get3A_722] {strides = array<i32>} : memref<200x64xf32, #tpu.memory_space<vmem>>, vector<16xf32>,
        %add3A_724 = arith.addf %scan3A_700, %get3A_723 : vector<16xf32>
        %mul3A_725 = arith.constant 8 : i32
        %mul3A_726 = arith.muli %scan3A_696, %mul3A_725 : i32
        %add3A_727 = arith.constant 1 : i32
        %add3A_728 = arith.addi %mul3A_726, %add3A_727 : i32
        %get3A_729 = arith.index_cast %add3A_728 : i32 to index
        %get3A_730 = arith.constant 0 : index
        %get3A_731 = tpu.vector_load %arg9[%get3A_729, %get3A_730] {strides = array<i32>} : memref<200x64xf32, #tpu.memory_space<vmem>>, vector<16xf32>,
        %add3A_732 = arith.addf %scan3A_701, %get3A_731 : vector<16xf32>
        %get3A_733 = arith.index_cast %add3A_728 : i32 to index
        %get3A_734 = arith.constant 16 : index
        %get3A_735 = tpu.vector_load %arg9[%get3A_733, %get3A_734] {strides = array<i32>} : memref<200x64xf32, #tpu.memory_space<vmem>>, vector<16xf32>,
        %add3A_736 = arith.addf %scan3A_702, %get3A_735 : vector<16xf32>
        %get3A_737 = arith.index_cast %add3A_728 : i32 to index
        %get3A_738 = arith.constant 32 : index
        %get3A_739 = tpu.vector_load %arg9[%get3A_737, %get3A_738] {strides = array<i32>} : memref<200x64xf32, #tpu.memory_space<vmem>>, vector<16xf32>,
        %add3A_740 = arith.addf %scan3A_703, %get3A_739 : vector<16xf32>
        %get3A_741 = arith.index_cast %add3A_728 : i32 to index
        %get3A_742 = arith.constant 48 : index
        %get3A_743 = tpu.vector_load %arg9[%get3A_741, %get3A_742] {strides = array<i32>} : memref<200x64xf32, #tpu.memory_space<vmem>>, vector<16xf32>,
        %add3A_744 = arith.addf %scan3A_704, %get3A_743 : vector<16xf32>
        %mul3A_745 = arith.constant 8 : i32
        %mul3A_746 = arith.muli %scan3A_696, %mul3A_745 : i32
        %add3A_747 = arith.constant 2 : i32
        %add3A_748 = arith.addi %mul3A_746, %add3A_747 : i32
        %get3A_749 = arith.index_cast %add3A_748 : i32 to index
        %get3A_750 = arith.constant 0 : index
        %get3A_751 = tpu.vector_load %arg9[%get3A_749, %get3A_750] {strides = array<i32>} : memref<200x64xf32, #tpu.memory_space<vmem>>, vector<16xf32>,
        %add3A_752 = arith.addf %add3A_712, %get3A_751 : vector<16xf32>
        %get3A_753 = arith.index_cast %add3A_748 : i32 to index
        %get3A_754 = arith.constant 16 : index
        %get3A_755 = tpu.vector_load %arg9[%get3A_753, %get3A_754] {strides = array<i32>} : memref<200x64xf32, #tpu.memory_space<vmem>>, vector<16xf32>,
        %add3A_756 = arith.addf %add3A_716, %get3A_755 : vector<16xf32>
        %get3A_757 = arith.index_cast %add3A_748 : i32 to index
        %get3A_758 = arith.constant 32 : index
        %get3A_759 = tpu.vector_load %arg9[%get3A_757, %get3A_758] {strides = array<i32>} : memref<200x64xf32, #tpu.memory_space<vmem>>, vector<16xf32>,
        %add3A_760 = arith.addf %add3A_720, %get3A_759 : vector<16xf32>
        %get3A_761 = arith.index_cast %add3A_748 : i32 to index
        %get3A_762 = arith.constant 48 : index
        %get3A_763 = tpu.vector_load %arg9[%get3A_761, %get3A_762] {strides = array<i32>} : memref<200x64xf32, #tpu.memory_space<vmem>>, vector<16xf32>,
        %add3A_764 = arith.addf %add3A_724, %get3A_763 : vector<16xf32>
        %mul3A_765 = arith.constant 8 : i32
        %mul3A_766 = arith.muli %scan3A_696, %mul3A_765 : i32
        %add3A_767 = arith.constant 3 : i32
        %add3A_768 = arith.addi %mul3A_766, %add3A_767 : i32
        %get3A_769 = arith.index_cast %add3A_768 : i32 to index
        %get3A_770 = arith.constant 0 : index
        %get3A_771 = tpu.vector_load %arg9[%get3A_769, %get3A_770] {strides = array<i32>} : memref<200x64xf32, #tpu.memory_space<vmem>>, vector<16xf32>,
        %add3A_772 = arith.addf %add3A_732, %get3A_771 : vector<16xf32>
        %get3A_773 = arith.index_cast %add3A_768 : i32 to index
        %get3A_774 = arith.constant 16 : index
        %get3A_775 = tpu.vector_load %arg9[%get3A_773, %get3A_774] {strides = array<i32>} : memref<200x64xf32, #tpu.memory_space<vmem>>, vector<16xf32>,
        %add3A_776 = arith.addf %add3A_736, %get3A_775 : vector<16xf32>
        %get3A_777 = arith.index_cast %add3A_768 : i32 to index
        %get3A_778 = arith.constant 32 : index
        %get3A_779 = tpu.vector_load %arg9[%get3A_777, %get3A_778] {strides = array<i32>} : memref<200x64xf32, #tpu.memory_space<vmem>>, vector<16xf32>,
        %add3A_780 = arith.addf %add3A_740, %get3A_779 : vector<16xf32>
        %get3A_781 = arith.index_cast %add3A_768 : i32 to index
        %get3A_782 = arith.constant 48 : index
        %get3A_783 = tpu.vector_load %arg9[%get3A_781, %get3A_782] {strides = array<i32>} : memref<200x64xf32, #tpu.memory_space<vmem>>, vector<16xf32>,
        %add3A_784 = arith.addf %add3A_744, %get3A_783 : vector<16xf32>
        %mul3A_785 = arith.constant 8 : i32
        %mul3A_786 = arith.muli %scan3A_696, %mul3A_785 : i32
        %add3A_787 = arith.constant 4 : i32
        %add3A_788 = arith.addi %mul3A_786, %add3A_787 : i32
        %get3A_789 = arith.index_cast %add3A_788 : i32 to index
        %get3A_790 = arith.constant 0 : index
        %get3A_791 = tpu.vector_load %arg9[%get3A_789, %get3A_790] {strides = array<i32>} : memref<200x64xf32, #tpu.memory_space<vmem>>, vector<16xf32>,
        %add3A_792 = arith.addf %add3A_752, %get3A_791 : vector<16xf32>
        %get3A_793 = arith.index_cast %add3A_788 : i32 to index
        %get3A_794 = arith.constant 16 : index
        %get3A_795 = tpu.vector_load %arg9[%get3A_793, %get3A_794] {strides = array<i32>} : memref<200x64xf32, #tpu.memory_space<vmem>>, vector<16xf32>,
        %add3A_796 = arith.addf %add3A_756, %get3A_795 : vector<16xf32>
        %get3A_797 = arith.index_cast %add3A_788 : i32 to index
        %get3A_798 = arith.constant 32 : index
        %get3A_799 = tpu.vector_load %arg9[%get3A_797, %get3A_798] {strides = array<i32>} : memref<200x64xf32, #tpu.memory_space<vmem>>, vector<16xf32>,
        %add3A_800 = arith.addf %add3A_760, %get3A_799 : vector<16xf32>
        %get3A_801 = arith.index_cast %add3A_788 : i32 to index
        %get3A_802 = arith.constant 48 : index
        %get3A_803 = tpu.vector_load %arg9[%get3A_801, %get3A_802] {strides = array<i32>} : memref<200x64xf32, #tpu.memory_space<vmem>>, vector<16xf32>,
        %add3A_804 = arith.addf %add3A_764, %get3A_803 : vector<16xf32>
        %mul3A_805 = arith.constant 8 : i32
        %mul3A_806 = arith.muli %scan3A_696, %mul3A_805 : i32
        %add3A_807 = arith.constant 5 : i32
        %add3A_808 = arith.addi %mul3A_806, %add3A_807 : i32
        %get3A_809 = arith.index_cast %add3A_808 : i32 to index
        %get3A_810 = arith.constant 0 : index
        %get3A_811 = tpu.vector_load %arg9[%get3A_809, %get3A_810] {strides = array<i32>} : memref<200x64xf32, #tpu.memory_space<vmem>>, vector<16xf32>,
        %add3A_812 = arith.addf %add3A_772, %get3A_811 : vector<16xf32>
        %get3A_813 = arith.index_cast %add3A_808 : i32 to index
        %get3A_814 = arith.constant 16 : index
        %get3A_815 = tpu.vector_load %arg9[%get3A_813, %get3A_814] {strides = array<i32>} : memref<200x64xf32, #tpu.memory_space<vmem>>, vector<16xf32>,
        %add3A_816 = arith.addf %add3A_776, %get3A_815 : vector<16xf32>
        %get3A_817 = arith.index_cast %add3A_808 : i32 to index
        %get3A_818 = arith.constant 32 : index
        %get3A_819 = tpu.vector_load %arg9[%get3A_817, %get3A_818] {strides = array<i32>} : memref<200x64xf32, #tpu.memory_space<vmem>>, vector<16xf32>,
        %add3A_820 = arith.addf %add3A_780, %get3A_819 : vector<16xf32>
        %get3A_821 = arith.index_cast %add3A_808 : i32 to index
        %get3A_822 = arith.constant 48 : index
        %get3A_823 = tpu.vector_load %arg9[%get3A_821, %get3A_822] {strides = array<i32>} : memref<200x64xf32, #tpu.memory_space<vmem>>, vector<16xf32>,
        %add3A_824 = arith.addf %add3A_784, %get3A_823 : vector<16xf32>
        %mul3A_825 = arith.constant 8 : i32
        %mul3A_826 = arith.muli %scan3A_696, %mul3A_825 : i32
        %add3A_827 = arith.constant 6 : i32
        %add3A_828 = arith.addi %mul3A_826, %add3A_827 : i32
        %get3A_829 = arith.index_cast %add3A_828 : i32 to index
        %get3A_830 = arith.constant 0 : index
        %get3A_831 = tpu.vector_load %arg9[%get3A_829, %get3A_830] {strides = array<i32>} : memref<200x64xf32, #tpu.memory_space<vmem>>, vector<16xf32>,
        %add3A_832 = arith.addf %add3A_792, %get3A_831 : vector<16xf32>
        %get3A_833 = arith.index_cast %add3A_828 : i32 to index
        %get3A_834 = arith.constant 16 : index
        %get3A_835 = tpu.vector_load %arg9[%get3A_833, %get3A_834] {strides = array<i32>} : memref<200x64xf32, #tpu.memory_space<vmem>>, vector<16xf32>,
        %add3A_836 = arith.addf %add3A_796, %get3A_835 : vector<16xf32>
        %get3A_837 = arith.index_cast %add3A_828 : i32 to index
        %get3A_838 = arith.constant 32 : index
        %get3A_839 = tpu.vector_load %arg9[%get3A_837, %get3A_838] {strides = array<i32>} : memref<200x64xf32, #tpu.memory_space<vmem>>, vector<16xf32>,
        %add3A_840 = arith.addf %add3A_800, %get3A_839 : vector<16xf32>
        %get3A_841 = arith.index_cast %add3A_828 : i32 to index
        %get3A_842 = arith.constant 48 : index
        %get3A_843 = tpu.vector_load %arg9[%get3A_841, %get3A_842] {strides = array<i32>} : memref<200x64xf32, #tpu.memory_space<vmem>>, vector<16xf32>,
        %add3A_844 = arith.addf %add3A_804, %get3A_843 : vector<16xf32>
        %mul3A_845 = arith.constant 8 : i32
        %mul3A_846 = arith.muli %scan3A_696, %mul3A_845 : i32
        %add3A_847 = arith.constant 7 : i32
        %add3A_848 = arith.addi %mul3A_846, %add3A_847 : i32
        %get3A_849 = arith.index_cast %add3A_848 : i32 to index
        %get3A_850 = arith.constant 0 : index
        %get3A_851 = tpu.vector_load %arg9[%get3A_849, %get3A_850] {strides = array<i32>} : memref<200x64xf32, #tpu.memory_space<vmem>>, vector<16xf32>,
        %add3A_852 = arith.addf %add3A_812, %get3A_851 : vector<16xf32>
        %get3A_853 = arith.index_cast %add3A_848 : i32 to index
        %get3A_854 = arith.constant 16 : index
        %get3A_855 = tpu.vector_load %arg9[%get3A_853, %get3A_854] {strides = array<i32>} : memref<200x64xf32, #tpu.memory_space<vmem>>, vector<16xf32>,
        %add3A_856 = arith.addf %add3A_816, %get3A_855 : vector<16xf32>
        %get3A_857 = arith.index_cast %add3A_848 : i32 to index
        %get3A_858 = arith.constant 32 : index
        %get3A_859 = tpu.vector_load %arg9[%get3A_857, %get3A_858] {strides = array<i32>} : memref<200x64xf32, #tpu.memory_space<vmem>>, vector<16xf32>,
        %add3A_860 = arith.addf %add3A_820, %get3A_859 : vector<16xf32>
        %get3A_861 = arith.index_cast %add3A_848 : i32 to index
        %get3A_862 = arith.constant 48 : index
        %get3A_863 = tpu.vector_load %arg9[%get3A_861, %get3A_862] {strides = array<i32>} : memref<200x64xf32, #tpu.memory_space<vmem>>, vector<16xf32>,
        %add3A_864 = arith.addf %add3A_824, %get3A_863 : vector<16xf32>
        scf.yield %add3A_832, %add3A_836, %add3A_840, %add3A_844, %add3A_852, %add3A_856, %add3A_860, %add3A_864 : vector<16xf32>, vector<16xf32>, vector<16xf32>, vector<16xf32>, vector<16xf32>, vector<16xf32>, vector<16xf32>, vector<16xf32>
      }
      %scan3A_648 = arith.constant 25 : i32
      %convert_element_type3A_649 = arith.sitofp %add3A_631 : i32 to f32
      %broadcast_in_dim3A_650 = vector.broadcast %convert_element_type3A_649 : f32 to vector<16xf32>
      %sub3A_651 = arith.constant 2.000000e+02 : f32
      %sub3A_652 = vector.broadcast %sub3A_651 : f32 to vector<16xf32>
      %sub3A_653 = arith.subf %sub3A_652, %broadcast_in_dim3A_650 : vector<16xf32>
      %max3A_654 = arith.constant 1.000000e+00 : f32
      %max3A_655 = vector.broadcast %max3A_654 : f32 to vector<16xf32>
      %max3A_656 = arith.maximumf %sub3A_653, %max3A_655 : vector<16xf32>
      %div3A_657 = arith.constant 1.000000e+00 : f32
      %div3A_658 = vector.broadcast %div3A_657 : f32 to vector<16xf32>
      %div3A_659 = arith.divf %div3A_658, %max3A_656 : vector<16xf32>
      %add3A_660 = arith.addf %scan3A_647#0, %scan3A_647#4 : vector<16xf32>
      %get3A_661 = arith.constant 0 : index
      %get3A_662 = tpu.vector_load %arg11[%get3A_661] {strides = array<i32>} : memref<64xf32, #tpu.memory_space<vmem>>, vector<16xf32>,
      %mul3A_663 = arith.mulf %broadcast_in_dim3A_650, %get3A_662 : vector<16xf32>
      %sub3A_664 = arith.subf %add3A_660, %mul3A_663 : vector<16xf32>
      %mul3A_665 = arith.mulf %sub3A_664, %div3A_659 : vector<16xf32>
      %swap3A_666 = arith.index_cast %add3A_538 : i32 to index
      %swap3A_667 = arith.constant 0 : index
      %swap3A_668 = tpu.vector_load %arg10[%swap3A_666, %swap3A_667] {strides = array<i32>} : memref<128x64xf32, #tpu.memory_space<vmem>>, vector<16xf32>,
      tpu.vector_store %arg10[%swap3A_666, %swap3A_667], %mul3A_665 {strides = array<i32>} : memref<128x64xf32, #tpu.memory_space<vmem>>, vector<16xf32>,
      %add3A_669 = arith.addf %scan3A_647#1, %scan3A_647#5 : vector<16xf32>
      %get3A_670 = arith.constant 16 : index
      %get3A_671 = tpu.vector_load %arg11[%get3A_670] {strides = array<i32>} : memref<64xf32, #tpu.memory_space<vmem>>, vector<16xf32>,
      %mul3A_672 = arith.mulf %broadcast_in_dim3A_650, %get3A_671 : vector<16xf32>
      %sub3A_673 = arith.subf %add3A_669, %mul3A_672 : vector<16xf32>
      %mul3A_674 = arith.mulf %sub3A_673, %div3A_659 : vector<16xf32>
      %swap3A_675 = arith.index_cast %add3A_538 : i32 to index
      %swap3A_676 = arith.constant 16 : index
      %swap3A_677 = tpu.vector_load %arg10[%swap3A_675, %swap3A_676] {strides = array<i32>} : memref<128x64xf32, #tpu.memory_space<vmem>>, vector<16xf32>,
      tpu.vector_store %arg10[%swap3A_675, %swap3A_676], %mul3A_674 {strides = array<i32>} : memref<128x64xf32, #tpu.memory_space<vmem>>, vector<16xf32>,
      %add3A_678 = arith.addf %scan3A_647#2, %scan3A_647#6 : vector<16xf32>
      %get3A_679 = arith.constant 32 : index
      %get3A_680 = tpu.vector_load %arg11[%get3A_679] {strides = array<i32>} : memref<64xf32, #tpu.memory_space<vmem>>, vector<16xf32>,
      %mul3A_681 = arith.mulf %broadcast_in_dim3A_650, %get3A_680 : vector<16xf32>
      %sub3A_682 = arith.subf %add3A_678, %mul3A_681 : vector<16xf32>
      %mul3A_683 = arith.mulf %sub3A_682, %div3A_659 : vector<16xf32>
      %swap3A_684 = arith.index_cast %add3A_538 : i32 to index
      %swap3A_685 = arith.constant 32 : index
      %swap3A_686 = tpu.vector_load %arg10[%swap3A_684, %swap3A_685] {strides = array<i32>} : memref<128x64xf32, #tpu.memory_space<vmem>>, vector<16xf32>,
      tpu.vector_store %arg10[%swap3A_684, %swap3A_685], %mul3A_683 {strides = array<i32>} : memref<128x64xf32, #tpu.memory_space<vmem>>, vector<16xf32>,
      %add3A_687 = arith.addf %scan3A_647#3, %scan3A_647#7 : vector<16xf32>
      %get3A_688 = arith.constant 48 : index
      %get3A_689 = tpu.vector_load %arg11[%get3A_688] {strides = array<i32>} : memref<64xf32, #tpu.memory_space<vmem>>, vector<16xf32>,
      %mul3A_690 = arith.mulf %broadcast_in_dim3A_650, %get3A_689 : vector<16xf32>
      %sub3A_691 = arith.subf %add3A_687, %mul3A_690 : vector<16xf32>
      %mul3A_692 = arith.mulf %sub3A_691, %div3A_659 : vector<16xf32>
      %swap3A_693 = arith.index_cast %add3A_538 : i32 to index
      %swap3A_694 = arith.constant 48 : index
      %swap3A_695 = tpu.vector_load %arg10[%swap3A_693, %swap3A_694] {strides = array<i32>} : memref<128x64xf32, #tpu.memory_space<vmem>>, vector<16xf32>,
      tpu.vector_store %arg10[%swap3A_693, %swap3A_694], %mul3A_692 {strides = array<i32>} : memref<128x64xf32, #tpu.memory_space<vmem>>, vector<16xf32>,
    }
    %scan3A_36 = arith.constant 32 : i32
    %dma_wait3A = arith.constant 127 : i32
    %dma_wait3A_37 = arith.constant 0 : i32
    %dma_wait3A_38 = arith.constant 0 : i32
    %dma_wait3A_39 = tpu.memref_slice %arg6[%dma_wait3A_37, %dma_wait3A_38] : memref<200x64xf32, #tpu.memory_space<vmem>> -> memref<200x64xf32, #tpu.memory_space<vmem>>
    %dma_wait3A_40 = arith.constant 0 : i32
    %dma_wait3A_41 = tpu.memref_slice %arg5[%dma_wait3A, %dma_wait3A_40] : memref<128x200xi32, #tpu.memory_space<vmem>> -> memref<1x200xi32, #tpu.memory_space<vmem>>
    %dma_wait3A_42 = tpu.memref_squeeze %dma_wait3A_41 : memref<1x200xi32, #tpu.memory_space<vmem>> -> memref<200xi32, #tpu.memory_space<vmem>>
    %dma_wait3A_43 = arith.constant 0 : i32
    %dma_wait3A_44 = arith.constant 0 : i32
    %dma_wait3A_45 = tpu.memref_slice %arg3[%dma_wait3A_43, %dma_wait3A_44] : memref<100000x64xf32, #tpu.memory_space<hbm>> -> memref<100000x64xf32, #tpu.memory_space<hbm>>
    tpu.wait_indirect_dma semaphore(%arg12 : memref<!tpu.dma_semaphore, #tpu.memory_space<semaphore_mem>>) src(%dma_wait3A_45 : memref<100000x64xf32, #tpu.memory_space<hbm>>) dst(%dma_wait3A_39 : memref<200x64xf32, #tpu.memory_space<vmem>>)
    %dma_wait3A_46 = arith.constant 127 : i32
    %dma_wait3A_47 = arith.constant 0 : i32
    %dma_wait3A_48 = arith.constant 0 : i32
    %dma_wait3A_49 = tpu.memref_slice %arg7[%dma_wait3A_47, %dma_wait3A_48] : memref<200x64xf32, #tpu.memory_space<vmem>> -> memref<200x64xf32, #tpu.memory_space<vmem>>
    %dma_wait3A_50 = arith.constant 0 : i32
    %dma_wait3A_51 = tpu.memref_slice %arg5[%dma_wait3A_46, %dma_wait3A_50] : memref<128x200xi32, #tpu.memory_space<vmem>> -> memref<1x200xi32, #tpu.memory_space<vmem>>
    %dma_wait3A_52 = tpu.memref_squeeze %dma_wait3A_51 : memref<1x200xi32, #tpu.memory_space<vmem>> -> memref<200xi32, #tpu.memory_space<vmem>>
    %dma_wait3A_53 = arith.constant 0 : i32
    %dma_wait3A_54 = arith.constant 0 : i32
    %dma_wait3A_55 = tpu.memref_slice %arg3[%dma_wait3A_53, %dma_wait3A_54] : memref<100000x64xf32, #tpu.memory_space<hbm>> -> memref<100000x64xf32, #tpu.memory_space<hbm>>
    tpu.wait_indirect_dma semaphore(%arg13 : memref<!tpu.dma_semaphore, #tpu.memory_space<semaphore_mem>>) src(%dma_wait3A_55 : memref<100000x64xf32, #tpu.memory_space<hbm>>) dst(%dma_wait3A_49 : memref<200x64xf32, #tpu.memory_space<vmem>>)
    %dma_wait3A_56 = arith.constant 127 : i32
    %dma_wait3A_57 = arith.constant 0 : i32
    %dma_wait3A_58 = arith.constant 0 : i32
    %dma_wait3A_59 = tpu.memref_slice %arg8[%dma_wait3A_57, %dma_wait3A_58] : memref<200x64xf32, #tpu.memory_space<vmem>> -> memref<200x64xf32, #tpu.memory_space<vmem>>
    %dma_wait3A_60 = arith.constant 0 : i32
    %dma_wait3A_61 = tpu.memref_slice %arg5[%dma_wait3A_56, %dma_wait3A_60] : memref<128x200xi32, #tpu.memory_space<vmem>> -> memref<1x200xi32, #tpu.memory_space<vmem>>
    %dma_wait3A_62 = tpu.memref_squeeze %dma_wait3A_61 : memref<1x200xi32, #tpu.memory_space<vmem>> -> memref<200xi32, #tpu.memory_space<vmem>>
    %dma_wait3A_63 = arith.constant 0 : i32
    %dma_wait3A_64 = arith.constant 0 : i32
    %dma_wait3A_65 = tpu.memref_slice %arg3[%dma_wait3A_63, %dma_wait3A_64] : memref<100000x64xf32, #tpu.memory_space<hbm>> -> memref<100000x64xf32, #tpu.memory_space<hbm>>
    tpu.wait_indirect_dma semaphore(%arg14 : memref<!tpu.dma_semaphore, #tpu.memory_space<semaphore_mem>>) src(%dma_wait3A_65 : memref<100000x64xf32, #tpu.memory_space<hbm>>) dst(%dma_wait3A_59 : memref<200x64xf32, #tpu.memory_space<vmem>>)
    "tpu.region"() ({
      %run_scoped3A_66 = tpu.sem_alloc : memref<!tpu.dma_semaphore, #tpu.memory_space<semaphore_mem>>
      %dma_start3A_67 = arith.constant 0 : i32
      %dma_start3A_68 = tpu.memref_slice %arg4[%mul3A_2, %dma_start3A_67] : memref<4096x64xf32, #tpu.memory_space<hbm>> -> memref<128x64xf32, #tpu.memory_space<hbm>>
      %dma_start3A_69 = arith.constant 0 : i32
      %dma_start3A_70 = tpu.memref_slice %arg4[%mul3A_2, %dma_start3A_69] : memref<4096x64xf32, #tpu.memory_space<hbm>> -> memref<128x64xf32, #tpu.memory_space<hbm>>
      tpu.enqueue_dma source(%arg10 : memref<128x64xf32, #tpu.memory_space<vmem>>) target(%dma_start3A_70 : memref<128x64xf32, #tpu.memory_space<hbm>>) target_semaphore(%run_scoped3A_66 : memref<!tpu.dma_semaphore, #tpu.memory_space<semaphore_mem>>)
      %dma_wait3A_71 = arith.constant 0 : i32
      %dma_wait3A_72 = tpu.memref_slice %arg4[%mul3A_2, %dma_wait3A_71] : memref<4096x64xf32, #tpu.memory_space<hbm>> -> memref<128x64xf32, #tpu.memory_space<hbm>>
      %dma_wait3A_73 = arith.constant 0 : i32
      %dma_wait3A_74 = tpu.memref_slice %arg4[%mul3A_2, %dma_wait3A_73] : memref<4096x64xf32, #tpu.memory_space<hbm>> -> memref<128x64xf32, #tpu.memory_space<hbm>>
      tpu.wait_dma2 semaphore(%run_scoped3A_66 : memref<!tpu.dma_semaphore, #tpu.memory_space<semaphore_mem>>) src(%arg10 : memref<128x64xf32, #tpu.memory_space<vmem>>) dst(%dma_wait3A_74 : memref<128x64xf32, #tpu.memory_space<hbm>>)
      tpu.yield
    }) : () -> ()
    return
  }
}

</mosaic_0001>

<sc_bundles>
// kernel: kernel.3.cloned.1.call-start
scs
__scs_entry_jumppad:
0x0: {  	(pc) =	sbr.rel $0x88, $3  }
0x1: {  	(tag) =	ssettag $0x0;
	lr =	simm.s32 $0x1  }
0x2: {  	[smem:$0x3F9F] =	sst lr;
	_ =	strace $0xD0000000  }
0x3: {  	_ = 	snop  }
0x4: {  	_ = 	snop  }
0x5: {  	_ = 	snop  }
0x6: {  	_ = 	snop  }
0x7: {  	_ = 	snop  }
__scs_overlays_trampoline_lowered:
0x8: {  	[smem:$0x3FAE] =	sst s0  }
0x9: {  	[smem:$0x3FAF] =	sst s1  }
0xa: {  	[smem:$0x3FB0] =	sst s2  }
0xb: {  	[smem:$0x3FB1] =	sst s3  }
0xc: {  	[smem:$0x3FB2] =	sst s4  }
0xd: {  	[smem:$0x3FB3] =	sst s5  }
0xe: {  	[smem:$0x3FB4] =	sst s6  }
0xf: {  	[smem:$0x3FB5] =	sst s7  }
0x10: {  	[smem:$0x3FB6] =	sst s8  }
0x11: {  	[smem:$0x3FB7] =	sst s9;
	s0 =	simm.s32 @!p0 $0x0  }
0x12: {  	s1 =	sld [smem:$0x3F9D];
	s0 =	simm.s32 @p0 $0x1  }
0x13: {  	[smem:$0x3FB8] =	sst s0;
	s0 =	simm.s32 @!p1 $0x0  }
0x14: {  	s2 =	sld [smem:$0x3F9C];
	s0 =	simm.s32 @p1 $0x1  }
0x15: {  	[smem:$0x3FB9] =	sst s0;
	s0 =	simm.s32 @!p2 $0x0  }
0x16: {  	s3 =	sld [smem:$0x3FDB];
	s0 =	simm.s32 @p2 $0x1  }
0x17: {  	s4 =	simm.s32 $0x1BF5;
	[smem:$0x3FBB] =	sst s0  }
0x18: {  	s0 =	sld [smem:$0x3F9E];
	_ =	swait.ge [sflag:s4], $0x0  }
0x19: {  	s7 =	sld [smem:$0x3F9F]  }
0x1a: {  	s8 =	sadd.s32 $0xFFFFE003, lr  }
0x1b: {  	s9 =	sadd.s32 $0xFFFFFEF7, lr;
	s5 =	simm.s32 $0xFFFFFFFF;
	p2 =	slt.u32 s8, $0xFFFFF086  }
0x1c: {  	p1 =	slt.u32 s9, $0xF7A;
	s5 =	simm.s32 @!p2 $0x0  }
0x1d: {  	s5 =	simm.s32 @p1 $0x1;
	p0 =	seq.s32 s7, s2  }
0x1e: {  	s7 =	smul.u32 @!p0 $0xF7A, s2;
	p2 =	seq.s32 @!p0 s5, $0x0  }
0x1f: {  	s9 =	smul.u32 $0xF7A, s1;
	s8 =	simm.s32 @!p0 $0x1BF5;
	p2 =	por !p2, p0  }
0x20: {  	[sflag:s8] =	ssyncset.s32 @!p0 $0xFFFFF086;
	s6 =	sadd.s32 @!p0 s3, s7;
	s7 =	simm.s32 @!p0 $0x108  }
0x21: {  	s3 =	sadd.s32 s3, s9;
	s6 =	sadd.s32 @!p0 $0x88, s6;
	s7 =	simm.s32 @p2 $0x1082  }
0x22: {  	[simem:s7], [sflag:s8] =	dma.local @!p0 [hbm:s6], $0xF7A  }
0x23: {  	s9 =	sor.u32 $0xD0000000, s2;
	s6 =	simm.s32 $0x108;
	_ =	swait.ge @!p0 [sflag:s8], $0x0  }
0x24: {  	s3 =	sadd.s32 $0x88, s3;
	s6 =	simm.s32 @!p1 $0x1082;
	[sflag:s4] =	ssyncset.s32 $0xFFFFF086  }
0x25: {  	[simem:s6], [sflag:s4] =	dma.local [hbm:s3], $0xF7A  }
0x26: {  	[smem:$0x3F9F] =	sst s1;
	(tag) =	ssettag s2;
	_ =	strace s9  }
0x27: {  	s1 =	sld [smem:$0x3FAF]  }
0x28: {  	s2 =	sld [smem:$0x3FB0]  }
0x29: {  	s4 =	sld [smem:$0x3FB2]  }
0x2a: {  	p0 =	seq.s32 s5, $0x0;
	s5 =	sld [smem:$0x3FB3]  }
0x2b: {  	s6 =	sld [smem:$0x3FB4]  }
0x2c: {  	s7 =	sld [smem:$0x3FB5]  }
0x2d: {  	s3 =	simm.s32 $0x108;
	s8 =	sld [smem:$0x3FB6]  }
0x2e: {  	s3 =	simm.s32 @!p0 $0x1082;
	s9 =	sld [smem:$0x3FB7]  }
0x2f: {  	lr =	sadd.s32 s0, s3;
	s0 =	sld [smem:$0x3FAE]  }
0x30: {  	s3 =	sld [smem:$0x3FB1]  }
0x31: {  	[smem:$0x3FBA] =	sst s10  }
0x32: {  	s10 =	sld [smem:$0x3FB8];
	_ =	sdelay $0x3  }
0x33: {  	p0 =	seq.s32 s10, $0x1;
	s10 =	sld [smem:$0x3FBA];
	_ =	sdelay $0x3  }
0x34: {  	[smem:$0x3FBA] =	sst s10  }
0x35: {  	s10 =	sld [smem:$0x3FB9];
	_ =	sdelay $0x3  }
0x36: {  	p1 =	seq.s32 s10, $0x1;
	s10 =	sld [smem:$0x3FBA];
	_ =	sdelay $0x3  }
0x37: {  	[smem:$0x3FBA] =	sst s10  }
0x38: {  	s10 =	sld [smem:$0x3FBB]  }
0x39: {  	_ = 	snop;
	(pc) =	sbr.ind lr, $3  }
0x3a: {  	_ = 	snop  }
0x3b: {  	_ = 	snop  }
0x3c: {  	p2 =	seq.s32 s10, $0x1;
	s10 =	sld [smem:$0x3FBA]  }
0x3d: {  	_ =	shalt  }
0x3e: {  	_ =	shalt  }
0x3f: {  	_ =	shalt  }
0x40: {  	_ =	shalt  }
0x41: {  	_ =	shalt  }
0x42: {  	_ =	shalt  }
0x43: {  	_ =	shalt  }
0x44: {  	_ =	shalt  }
0x45: {  	_ =	shalt  }
0x46: {  	_ =	shalt  }
0x47: {  	_ =	shalt  }
0x48: {  	_ =	shalt  }
0x49: {  	_ =	shalt  }
0x4a: {  	_ =	shalt  }
0x4b: {  	_ =	shalt  }
0x4c: {  	_ =	shalt  }
0x4d: {  	_ =	shalt  }
0x4e: {  	_ =	shalt  }
0x4f: {  	_ =	shalt  }
0x50: {  	_ =	shalt  }
0x51: {  	_ =	shalt  }
0x52: {  	_ =	shalt  }
0x53: {  	_ =	shalt  }
0x54: {  	_ =	shalt  }
0x55: {  	_ =	shalt  }
0x56: {  	_ =	shalt  }
0x57: {  	_ =	shalt  }
0x58: {  	_ =	shalt  }
0x59: {  	_ =	shalt  }
0x5a: {  	_ =	shalt  }
0x5b: {  	_ =	shalt  }
0x5c: {  	_ =	shalt  }
0x5d: {  	_ =	shalt  }
0x5e: {  	_ =	shalt  }
0x5f: {  	_ =	shalt  }
0x60: {  	_ =	shalt  }
0x61: {  	_ =	shalt  }
0x62: {  	_ =	shalt  }
0x63: {  	_ =	shalt  }
0x64: {  	_ =	shalt  }
0x65: {  	_ =	shalt  }
0x66: {  	_ =	shalt  }
0x67: {  	_ =	shalt  }
0x68: {  	_ =	shalt  }
0x69: {  	_ =	shalt  }
0x6a: {  	_ =	shalt  }
0x6b: {  	_ =	shalt  }
0x6c: {  	_ =	shalt  }
0x6d: {  	_ =	shalt  }
0x6e: {  	_ =	shalt  }
0x6f: {  	_ =	shalt  }
0x70: {  	_ =	shalt  }
0x71: {  	_ =	shalt  }
0x72: {  	_ =	shalt  }
0x73: {  	_ =	shalt  }
0x74: {  	_ =	shalt  }
0x75: {  	_ =	shalt  }
0x76: {  	_ =	shalt  }
0x77: {  	_ =	shalt  }
0x78: {  	_ =	shalt  }
0x79: {  	_ =	shalt  }
0x7a: {  	_ =	shalt  }
0x7b: {  	_ =	shalt  }
0x7c: {  	_ =	shalt  }
0x7d: {  	_ =	shalt  }
0x7e: {  	_ =	shalt  }
0x7f: {  	_ =	shalt  }
0x80: {  	_ =	shalt  }
0x81: {  	_ =	shalt  }
0x82: {  	_ =	shalt  }
0x83: {  	_ =	shalt  }
0x84: {  	_ =	shalt  }
0x85: {  	_ =	shalt  }
0x86: {  	_ =	shalt  }
0x87: {  	_ =	shalt  }
.Lfunc_end0:
.L_simem_size_0:
called_computation_lowered:
.L_overlay_start_0:
0x88: {  	s2 =	sld [smem:$0x3FD9]  }
0x89: {  	s3 =	sld [smem:$0x3FFE];
	_ =	sdelay $0x1  }
0x8a: {  	s1 =	srdreg.scid  }
0x8b: {  	s0 =	sand.u32 $0x1, s1  }
0x8c: {  	s17 =	sshll.u32 s0, $0xA;
	s2 =	sadd.s32 s3, s2  }
0x8d: {  	s2 =	sadd.s32 s2, s17  }
0x8e: {  	[smem:$0x3FC6] =	sst s2  }
0x8f: {  	_ = 	snop  }
0x90: {  	s2 =	sld [smem:$0x3FD0];
	(tm) =	ssettm $0x1  }
0x91: {  	s18 =	sld [smem:$0x3FFB];
	_ =	sdelay $0x3  }
0x92: {  	_ =	strace s18  }
0x93: {  	s3 =	sld [smem:$0x3FFC];
	_ =	sdelay $0x3  }
0x94: {  	_ =	strace s3  }
0x95: {  	s3 =	sld [smem:$0x3FFD];
	_ =	sdelay $0x3  }
0x96: {  	_ =	strace s3  }
0x97: {  	_ =	strace $0x8FFFFFFF  }
0x98: {  	s19 =	sld [smem:$0x3FDB];
	_ =	sdelay $0x1  }
0x99: {  	s4 =	simm.s32 $_scs_section_size  }
0x9a: {  	s5 =	simm.s32 $_size__tile_overlayer_lowered;
	s6 =	simm.s32 $_tile_overlayer_lowered  }
0x9b: {  	s22 =	simm.s32 $0x1BFF;
	s21 =	sshll.u32 s6, $0x1;
	s3 =	sadd.s32 s4, s19  }
0x9c: {  	s7 =	simm.s32 $0x0;
	s20 =	sshll.u32 s5, $0x1;
	s5 =	sadd.s32 s21, s3  }
0x9d: {  	[timem:s7], [sflag:s22] =	dma.local [hbm:s5], s20  }
0x9e: {  	_ =	swait.ge [sflag:s22], s20  }
0x9f: {  	s4 =	ssub.s32 $0x0, s20;
	[sflag:s22] =	ssyncset.done $0x0  }
0xa0: {  	[sflag:s22] =	ssyncadd.s32 s4;
	_ =	sdelay $0x1  }
0xa1: {  	s23 =	simm.s32 $0x1B8B  }
0xa2: {  	_ =	swait.ge [sflag:s23], $0x1  }
0xa3: {  	[sflag:s23] =	ssyncset.done $0x0  }
0xa4: {  	s25 =	simm.s32 $0x1B8E;
	s24 =	sld [smem:$0x3FFE];
	[sflag:s23] =	ssyncadd.s32 $0xFFFFFFFF  }
0xa5: {  	s26 =	simm.s32 $execute0_lowered;
	[smem:$0x3FD2] =	sst s25  }
0xa6: {  	s5 =	sshll.u32 s26, $0x1;
	_ =	strace $0x80000046;
	[dreg:$0x1] =	wrdreg $0xFFFFFFFF  }
0xa7: {  	s28 =	simm.s32 $_size_execute0_lowered;
	s3 =	sadd.s32 s3, s5;
	[dreg:$0x0] =	wrdreg $0x0  }
0xa8: {  	s5 =	sshll.u32 s28, $0x1;
	[dreg:$0x2] =	wrdreg s3  }
0xa9: {  	[dreg:$0x3] =	wrdreg s5  }
0xaa: {  	[dreg:$0x4] =	wrdreg $0xC0  }
0xab: {  	_ =	task [dreg:s7], $0x5FFFF  }
0xac: {  	[dreg:$0x1] =	wrdreg $0xFFFFFFFF  }
0xad: {  	[dreg:$0x0] =	wrdreg $0x60  }
0xae: {  	[dreg:$0x2] =	wrdreg s24  }
0xaf: {  	[dreg:$0x3] =	wrdreg s2  }
0xb0: {  	[dreg:$0x4] =	wrdreg $0x9  }
0xb1: {  	_ =	task.clear_ibuf [dreg:s7], $0x5FFFF;
	_ =	strace $0x90000046  }
0xb2: {  	s29 =	simm.s32 $0x9;
	_ =	strace $0x80000048  }
0xb3: {  	_ =	swait.ge [sflag:s29], $0x1  }
0xb4: {  	[sflag:s29] =	ssyncadd.s32 $0xFFFFFFFF  }
0xb5: {  	_ =	strace $0x90000048  }
0xb6: {  	_ =	sfence  }
0xb7: {  	s30 =	sld [smem:$0x0];
	_ =	sdelay $0x2  }
0xb8: {  	s31 =	sshll.u32 s1, $0xD;
	s1 =	sshrl.u32 s1, $0x2  }
0xb9: {  	s3 =	sand.u32 $0x4000, s31;
	s1 =	sadd.s32 s1, s30  }
0xba: {  	s0 =	sor.u32 s3, s0;
	s1 =	sshll.u32 s1, $0x11  }
0xbb: {  	s0 =	sor.u32 s1, s0  }
0xbc: {  	s0 =	sadd.s32 $0x8F2B, s0  }
0xbd: {  	[sflag:s0] =	ssyncadd.remote.s32 $0x1  }
0xbe: {  	_ =	sfence.sel $0xFFFF  }
0xbf: {  	[dreg:$0x0] =	wrdreg $0xFFFFFFFF;
	(pc) =	sbr.abs _section_cstart, $3  }
0xc0: {  	[dreg:$0x1] =	wrdreg $0xFFFFFFFF  }
0xc1: {  	_ =	task.clear_ibuf [dreg:s7], $0x2FFFF;
	_ =	strace $0x9FFFFFFF  }
0xc2: {  	(tm) =	ssettm $0x7FFFFFFF  }
0xc3: {  	_ =	shalt  }
tec
execute0_lowered:
.L_overlay_start_1:
0x0: {  	(tag) =	ssettag $0x1  }
0x1: {  	s1 =	srdreg.scid  }
0x2: {  	s0 =	stileid.u32;
	s4 =	rddreg [dreg:$0x0]  }
0x3: {  	s5 =	rddreg [dreg:$0x1];
	s9 =	simm.s32 $0xC8;
	s10 =	simm.s32 $0x6400  }
0x4: {  	s11 =	simm.s32 $0x9600;
	s12 =	simm.s32 $0x190;
	s13 =	simm.s32 $0xC800  }
0x5: {  	s14 =	simm.s32 $0xFA00;
	s15 =	simm.s32 $0x1;
	s16 =	simm.s32 $0x2  }
0x6: {  	s17 =	simm.s32 $0x3;
	s18 =	simm.s32 $0x4;
	s19 =	simm.s32 $0x12C00  }
0x7: {  	s20 =	simm.s32 $0x0;
	s3 =	sand.u32 $0x1, s1;
	s30 =	sshll.u32 s0, $0x8  }
0x8: {  	s1 =	rddreg [dreg:$0x2];
	s2 =	sshll.u32 s3, $0x7;
	s8 =	ssub.s32 $0x2, s3  }
0x9: {  	s3 =	sadd.s32 $0x187000, s4;
	s6 =	sor.u32 s2, s30;
	s2 =	simm.s32 $0x0  }
0xa: {  	s31 =	sshrl.u32 s8, $0x1;
	s7 =	smul.u32 $0x19, s6;
	[smem:$0x7FF] =	sst s2  }
0xb: {  	s6 =	sshll.u32 s6, $0x3;
	s8 =	ssub.s32 s8, s31;
	_ =	strace $0x80000047  }
0xc: {  	s5 =	sadd.s32 s5, s6;
	s6 =	smax.u32 s8, $0x1;
	s7 =	sadd.s32 s7, s4  }
0xd: {  	v0 =	vimm.s32 $0x0;
	vm0 =	vcmask $0x3F20;
	s8 =	simm.s32 $0x5;
	s4 =	sadd.s32 $0x600, s7;
	s7 =	simm.s32 $0x14C00  }
.LBB2_1:
0xe: {  	[tilespmem:s7], [sflag:$0x5] =	stream.linear.gather [hbm4b:s3+s2], $0x40, $0x38;
	[tilespmem:$0x14C40] =	vst v63  }
0xf: {  	_ =	swait.ge [sflag:s8], $0x40  }
0x10: {  	[sflag:s8] =	ssyncset.done $0x0  }
0x11: {  	[sflag:s8] =	ssyncadd.s32 $0xFFFFFFC0  }
0x12: {  	[tilespmem:s2], [sflag:$0x5] =	stream.linear.gather [hbm4b:s4+s2], $0x6400, $0x38;
	[tilespmem:$0x14C40] =	vst v63  }
0x13: {  	_ =	swait.ge [sflag:s8], $0x6400  }
0x14: {  	[sflag:s8] =	ssyncset.done $0x0  }
0x15: {  	[sflag:s8] =	ssyncadd.s32 $0xFFFF9C00  }
0x16: {  	[tilespmem:s10], [sflag:$0x1] =	stream.indirect.gather [hbm4b:s3+s9], $0x40, s2, s9, $0xb8;
	[tilespmem:$0x14C40] =	vst v63  }
0x17: {  	_ = 	snop  }
0x18: {  	[tilespmem:s11], [sflag:$0x2] =	stream.indirect.gather [hbm4b:s3+s9], $0x40, s9, s9, $0xb8;
	[tilespmem:$0x14C40] =	vst v63  }
0x19: {  	s21 =	simm.s32 $0x0  }
0x1a: {  	[tilespmem:s13], [sflag:$0x3] =	stream.indirect.gather [hbm4b:s3+s9], $0x40, s12, s9, $0xb8;
	[tilespmem:$0x14C40] =	vst v63  }
.LBB2_2:
0x1b: {  	s22 =	sshllo.u32 s21, $0x2;
	s24 =	smul.u32 $0xC80, s21  }
0x1c: {  	s23 =	smul.u32 $0x320, s22;
	_ =	sdelay $0x1  }
0x1d: {  	s24 =	sshra.s32 s24, $0x2;
	s23 =	sshra.s32 s23, $0x2  }
0x1e: {  	[tilespmem:s14], [sflag:$0x4] =	stream.indirect.gather [hbm4b:s3+s9], $0x40, s23, s9, $0xb8;
	[tilespmem:$0x14C40] =	vst v63  }
0x1f: {  	v30 =	vld [tilespmem:s24+$0x0]  }
0x20: {  	v31 =	vld [tilespmem:s24+$0x10]  }
0x21: {  	v28 =	vld [tilespmem:s24+$0x20]  }
0x22: {  	v27 =	vld [tilespmem:s24+$0x30]  }
0x23: {  	v26 =	vld [tilespmem:s24+$0x40]  }
0x24: {  	v25 =	vld [tilespmem:s24+$0x50]  }
0x25: {  	v24 =	vld [tilespmem:s24+$0x60]  }
0x26: {  	v23 =	vld [tilespmem:s24+$0x70]  }
0x27: {  	v21 =	vld [tilespmem:s24+$0x80]  }
0x28: {  	v20 =	vld [tilespmem:s24+$0x90]  }
0x29: {  	v19 =	vld [tilespmem:s24+$0xA0]  }
0x2a: {  	v18 =	vld [tilespmem:s24+$0xB0]  }
0x2b: {  	v15 =	vld [tilespmem:s24+$0xB8];
	_ =	swait.ge [sflag:s15], $0x3200  }
0x2c: {  	[sflag:s15] =	ssyncset.done $0x0  }
0x2d: {  	s25 =	simm.s32 $0x0;
	[sflag:s15] =	ssyncadd.s32 $0xFFFFCE00  }
0x2e: {  	v7 =	vld [tilespmem:s25+$0x6580]  }
0x2f: {  	v4 =	vld [tilespmem:s25+$0x6590]  }
0x30: {  	v3 =	vld [tilespmem:s25+$0x65A0]  }
0x31: {  	v1 =	vld [tilespmem:s25+$0x65B0]  }
0x32: {  	v5 =	vld [tilespmem:s25+$0x65C0]  }
0x33: {  	v2 =	vld [tilespmem:s25+$0x65D0]  }
0x34: {  	v17 =	vld [tilespmem:s25+$0x6500]  }
0x35: {  	v13 =	vld [tilespmem:s25+$0x6510]  }
0x36: {  	v10 =	vld [tilespmem:s25+$0x6520]  }
0x37: {  	v6 =	vld [tilespmem:s25+$0x6530]  }
0x38: {  	v12 =	vld [tilespmem:s25+$0x6540]  }
0x39: {  	v8 =	vld [tilespmem:s25+$0x6480]  }
0x3a: {  	v11 =	vld [tilespmem:s25+$0x6490]  }
0x3b: {  	v14 =	vld [tilespmem:s25+$0x6400]  }
0x3c: {  	v22 =	vld [tilespmem:s25+$0x6410]  }
0x3d: {  	v29 =	vld [tilespmem:s25+$0x6420]  }
0x3e: {  	v32 =	vld [tilespmem:s25+$0x6430]  }
0x3f: {  	v34 =	vld [tilespmem:s25+$0x64A0]  }
0x40: {  	v39 =	vld [tilespmem:s25+$0x64B0]  }
0x41: {  	v16 =	vimm.f32 $0.0e+00;
	v9 =	vld [tilespmem:s25+$0x6550]  }
0x42: {  	v33 =	vld [tilespmem:s25+$0x64C0];
	v14 =	vadd.f32 v14, v16;
	v35 =	vadd.f32 v22, v16  }
0x43: {  	v37 =	vld [tilespmem:s25+$0x6440];
	v29 =	vadd.f32 v29, v16;
	v32 =	vadd.f32 v32, v16  }
0x44: {  	v22 =	vld [tilespmem:s25+$0x64D0];
	v38 =	vadd.f32 v8, v14;
	v36 =	vadd.f32 v11, v35  }
0x45: {  	v35 =	vld [tilespmem:s25+$0x6450];
	v34 =	vadd.f32 v34, v29;
	v29 =	vadd.f32 v39, v32  }
0x46: {  	s26 =	simm.s32 $0x800;
	s24 =	sshll.u32 s21, $0x2;
	v32 =	vld [tilespmem:s25+$0x6460];
	v14 =	vimm.f32 $0.0e+00;
	v11 =	vimm.f32 $0.0e+00;
	v8 =	vimm.f32 $0.0e+00  }
.LBB2_3:
0x47: {  	p0 =	sne.s32 s26, $0xC000;
	v39 =	vld [tilespmem:s25+$0x6470];
	v17 =	vadd.f32 v17, v38;
	v13 =	vadd.f32 v13, v36  }
0x48: {  	v36 =	vld [tilespmem:s25+$0x64E0];
	v10 =	vadd.f32 v10, v34;
	v6 =	vadd.f32 v6, v29  }
0x49: {  	v29 =	vld [tilespmem:s25+$0x64F0];
	v34 =	vadd.f32 v7, v17;
	v38 =	vadd.f32 v4, v13  }
0x4a: {  	v13 =	vld [tilespmem:s25+$0x6560];
	v40 =	vadd.f32 v3, v10;
	v41 =	vadd.f32 v1, v6  }
0x4b: {  	v1 =	vadd.f32 v37, v16;
	v3 =	vadd.f32 v35, v14;
	v6 =	vld [tilespmem:s25+$0x6570]  }
0x4c: {  	v4 =	vadd.f32 v32, v11;
	v8 =	vadd.f32 v39, v8;
	v10 =	vld [tilespmem:s25+$0x65E0]  }
0x4d: {  	v1 =	vadd.f32 v33, v1;
	v3 =	vadd.f32 v22, v3;
	v17 =	vld [tilespmem:s25+$0x65F0];
	s25 =	sshra.s32 s26, $0x2  }
0x4e: {  	v11 =	vadd.f32 v36, v4;
	v7 =	vld [tilespmem:s25+$0x6580];
	v8 =	vadd.f32 v29, v8  }
0x4f: {  	v12 =	vadd.f32 v12, v1;
	v9 =	vadd.f32 v9, v3;
	v4 =	vld [tilespmem:s25+$0x6590]  }
0x50: {  	v11 =	vadd.f32 v13, v11;
	v3 =	vld [tilespmem:s25+$0x65A0];
	v6 =	vadd.f32 v6, v8  }
0x51: {  	v16 =	vadd.f32 v5, v12;
	v14 =	vadd.f32 v2, v9;
	v1 =	vld [tilespmem:s25+$0x65B0]  }
0x52: {  	v11 =	vadd.f32 v10, v11;
	v5 =	vld [tilespmem:s25+$0x65C0];
	v8 =	vadd.f32 v17, v6  }
0x53: {  	v2 =	vld [tilespmem:s25+$0x65D0]  }
0x54: {  	v17 =	vld [tilespmem:s25+$0x6500]  }
0x55: {  	v13 =	vld [tilespmem:s25+$0x6510]  }
0x56: {  	v10 =	vld [tilespmem:s25+$0x6520]  }
0x57: {  	v6 =	vld [tilespmem:s25+$0x6530]  }
0x58: {  	v12 =	vld [tilespmem:s25+$0x6540]  }
0x59: {  	v9 =	vld [tilespmem:s25+$0x6550]  }
0x5a: {  	v29 =	vld [tilespmem:s25+$0x6480]  }
0x5b: {  	v32 =	vld [tilespmem:s25+$0x6490]  }
0x5c: {  	v22 =	vld [tilespmem:s25+$0x6400]  }
0x5d: {  	v35 =	vld [tilespmem:s25+$0x6410]  }
0x5e: {  	v36 =	vld [tilespmem:s25+$0x6420]  }
0x5f: {  	v37 =	vld [tilespmem:s25+$0x6430]  }
0x60: {  	v39 =	vld [tilespmem:s25+$0x64A0]  }
0x61: {  	v42 =	vld [tilespmem:s25+$0x64B0]  }
.Ltmp0:
0x62: {  	v33 =	vld [tilespmem:s25+$0x64C0];
	(pc) =	sbr.rel @p0 .LBB2_3-.Ltmp0, $4  }
0x63: {  	v34 =	vadd.f32 v22, v34;
	v43 =	vadd.f32 v35, v38;
	v22 =	vld [tilespmem:s25+$0x64D0]  }
0x64: {  	v40 =	vadd.f32 v36, v40;
	v41 =	vadd.f32 v37, v41;
	v37 =	vld [tilespmem:s25+$0x6440]  }
0x65: {  	v38 =	vadd.f32 v29, v34;
	v36 =	vadd.f32 v32, v43;
	v35 =	vld [tilespmem:s25+$0x6450]  }
0x66: {  	s26 =	sadd.s32 $0x800, s26;
	v34 =	vadd.f32 v39, v40;
	v32 =	vld [tilespmem:s25+$0x6460];
	v29 =	vadd.f32 v42, v41  }
0x67: {  	vm1 =	veq.s32 v30, $0x0;
	vm2 =	veq.s32 v31, $0x0  }
0x68: {  	v30 =	vsel vm1, $0x1, v0;
	v31 =	vsel vm2, $0x1, v0;
	vm1 =	veq.s32 v28, $0x0  }
0x69: {  	v28 =	vadd.s32 v31, v30;
	v30 =	vsel vm1, $0x1, v0;
	vm1 =	veq.s32 v27, $0x0  }
0x6a: {  	v27 =	vadd.s32 v30, v28;
	v28 =	vsel vm1, $0x1, v0;
	vm1 =	veq.s32 v26, $0x0  }
0x6b: {  	v26 =	vadd.s32 v28, v27;
	v27 =	vsel vm1, $0x1, v0;
	vm1 =	veq.s32 v25, $0x0  }
0x6c: {  	v25 =	vadd.s32 v27, v26;
	v26 =	vsel vm1, $0x1, v0;
	vm1 =	veq.s32 v24, $0x0  }
0x6d: {  	v24 =	vadd.s32 v26, v25;
	v25 =	vsel vm1, $0x1, v0;
	vm1 =	veq.s32 v23, $0x0  }
0x6e: {  	v23 =	vadd.s32 v25, v24;
	v24 =	vsel vm1, $0x1, v0;
	vm1 =	veq.s32 v21, $0x0  }
0x6f: {  	v21 =	vadd.s32 v24, v23;
	v23 =	vsel vm1, $0x1, v0;
	vm1 =	veq.s32 v20, $0x0  }
0x70: {  	v20 =	vadd.s32 v23, v21;
	v21 =	vsel vm1, $0x1, v0;
	vm1 =	veq.s32 v19, $0x0  }
0x71: {  	v19 =	vadd.s32 v21, v20;
	v20 =	vsel vm1, $0x1, v0;
	vm1 =	veq.s32 v18, $0x0  }
0x72: {  	v18 =	vadd.s32 v20, v19;
	v19 =	vsel vm1, $0x1, v0  }
0x73: {  	v18 =	vadd.s32 v19, v18  }
0x74: {  	(v2sf) =	vpush v18, $0x0  }
0x75: {  	(v2sf) =	vpush v18, $0x1  }
0x76: {  	(v2sf) =	vpush v18, $0x2  }
0x77: {  	(v2sf) =	vpush v18, $0x3  }
0x78: {  	vm1 =	veq.s32 v15, $0x0;
	(v2sf) =	vpush v18, $0x4  }
0x79: {  	vm1 =	vmand vm1, vm0;
	(v2sf) =	vpush v18, $0x5  }
0x7a: {  	v15 =	vsel vm1, $0x1, v0;
	(v2sf) =	vpush v18, $0x6  }
0x7b: {  	v15 =	vadd.s32 v15, v18;
	(v2sf) =	vpush v18, $0x7  }
0x7c: {  	(v2sf) =	vpush v15, $0x8  }
0x7d: {  	(v2sf) =	vpush v15, $0x9  }
0x7e: {  	(v2sf) =	vpush v15, $0xA  }
0x7f: {  	(v2sf) =	vpush v15, $0xB  }
0x80: {  	(v2sf) =	vpush v15, $0xC  }
0x81: {  	(v2sf) =	vpush v15, $0xD  }
0x82: {  	(v2sf) =	vpush v15, $0xE  }
0x83: {  	s26 =	spop (v2sf);
	(v2sf) =	vpush v15, $0xF  }
0x84: {  	s28 =	spop (v2sf)  }
0x85: {  	s26 =	sadd.s32 s28, s26;
	s28 =	spop (v2sf)  }
0x86: {  	s26 =	sadd.s32 s28, s26;
	s28 =	spop (v2sf)  }
0x87: {  	s26 =	sadd.s32 s28, s26;
	s28 =	spop (v2sf)  }
0x88: {  	s26 =	sadd.s32 s28, s26;
	s28 =	spop (v2sf)  }
0x89: {  	s26 =	sadd.s32 s28, s26;
	s28 =	spop (v2sf)  }
0x8a: {  	s26 =	sadd.s32 s28, s26;
	s28 =	spop (v2sf)  }
0x8b: {  	s26 =	sadd.s32 s28, s26;
	s28 =	spop (v2sf)  }
0x8c: {  	s26 =	sadd.s32 s28, s26;
	s28 =	spop (v2sf)  }
0x8d: {  	s26 =	sadd.s32 s28, s26;
	s28 =	spop (v2sf)  }
0x8e: {  	s26 =	sadd.s32 s28, s26;
	s28 =	spop (v2sf)  }
0x8f: {  	s26 =	sadd.s32 s28, s26;
	s28 =	spop (v2sf)  }
0x90: {  	s26 =	sadd.s32 s28, s26;
	s28 =	spop (v2sf)  }
0x91: {  	s26 =	sadd.s32 s28, s26;
	s28 =	spop (v2sf)  }
0x92: {  	s26 =	sadd.s32 s28, s26;
	s28 =	spop (v2sf)  }
0x93: {  	s26 =	sadd.s32 s28, s26  }
0x94: {  	s26 =	scvt.s32.f32 s26;
	_ =	sdelay $0x1  }
0x95: {  	v15 =	vmov s26  }
0x96: {  	v15 =	vsub.f32 $2.000000000e+02, v15  }
0x97: {  	v16 =	vadd.f32 v37, v16  }
0x98: {  	v15 =	vmax.f32 v15, $1.000000000e+00  }
0x99: {  	v16 =	vadd.f32 v33, v16;
	(erf) = vrcp.f32 v15  }
0x9a: {  	v15 =	vld [tilespmem:$0x14C00]  }
0x9b: {  	v17 =	vadd.f32 v17, v38;
	v12 =	vadd.f32 v12, v16;
	_ =	sdelay $0x1  }
0x9c: {  	v7 =	vadd.f32 v7, v17;
	v5 =	vadd.f32 v5, v12;
	_ =	sdelay $0x1  }
0x9d: {  	v17 =	vld [tilespmem:s25+$0x6560];
	v5 =	vadd.f32 v5, v7;
	v7 =	vmul.f32 s26, v15  }
0x9e: {  	v16 =	vld [tilespmem:s25+$0x64E0]  }
0x9f: {  	v12 =	vld [tilespmem:s25+$0x6470];
	v5 =	vsub.f32 v5, v7  }
0xa0: {  	v20 =	vld [tilespmem:s25+$0x65F0];
	v18 =	vpop (erf)  }
0xa1: {  	v14 =	vadd.f32 v35, v14;
	v19 =	vld [tilespmem:s25+$0x65E0];
	s28 =	sshll.u32 s21, $0x8;
	v5 =	vmul.f32 v5, v18  }
0xa2: {  	s28 =	sand.u32 $0x3FFFFF00, s28;
	v15 =	vld [tilespmem:s25+$0x64F0]  }
0xa3: {  	v14 =	vadd.f32 v22, v14;
	v7 =	vld [tilespmem:s25+$0x6570];
	[tilespmem:s28+$0x12C00] =	vst v5  }
0xa4: {  	v5 =	vld [tilespmem:$0x14C10]  }
0xa5: {  	v13 =	vadd.f32 v13, v36;
	v9 =	vadd.f32 v9, v14;
	_ =	sdelay $0x1  }
0xa6: {  	v4 =	vadd.f32 v4, v13;
	v2 =	vadd.f32 v2, v9;
	_ =	sdelay $0x1  }
0xa7: {  	v2 =	vadd.f32 v2, v4;
	v4 =	vmul.f32 s26, v5;
	_ =	sdelay $0x1  }
0xa8: {  	v2 =	vsub.f32 v2, v4;
	_ =	sdelay $0x1  }
0xa9: {  	v4 =	vadd.f32 v32, v11;
	v2 =	vmul.f32 v2, v18;
	_ =	sdelay $0x1  }
0xaa: {  	v4 =	vadd.f32 v16, v4;
	[tilespmem:s28+$0x12C10] =	vst v2  }
0xab: {  	v2 =	vld [tilespmem:$0x14C20]  }
0xac: {  	v5 =	vadd.f32 v10, v34;
	v4 =	vadd.f32 v17, v4;
	_ =	sdelay $0x1  }
0xad: {  	v3 =	vadd.f32 v3, v5;
	v4 =	vadd.f32 v19, v4;
	_ =	sdelay $0x1  }
0xae: {  	v3 =	vadd.f32 v4, v3;
	v2 =	vmul.f32 s26, v2;
	_ =	sdelay $0x1  }
0xaf: {  	v2 =	vsub.f32 v3, v2;
	_ =	sdelay $0x1  }
0xb0: {  	v3 =	vadd.f32 v12, v8;
	v2 =	vmul.f32 v2, v18;
	_ =	sdelay $0x1  }
0xb1: {  	v3 =	vadd.f32 v15, v3;
	[tilespmem:s28+$0x12C20] =	vst v2  }
0xb2: {  	v2 =	vld [tilespmem:$0x14C30]  }
0xb3: {  	v4 =	vadd.f32 v6, v29;
	v3 =	vadd.f32 v7, v3;
	_ =	sdelay $0x1  }
0xb4: {  	v1 =	vadd.f32 v1, v4;
	v3 =	vadd.f32 v20, v3;
	_ =	sdelay $0x1  }
0xb5: {  	v1 =	vadd.f32 v3, v1;
	v2 =	vmul.f32 s26, v2;
	_ =	sdelay $0x1  }
0xb6: {  	s29 =	smin.u32 s24, $0x7B;
	v1 =	vsub.f32 v1, v2  }
0xb7: {  	s30 =	smul.u32 $0x320, s29  }
0xb8: {  	v1 =	vmul.f32 v1, v18  }
0xb9: {  	s25 =	sor.u32 $0x1, s24;
	s26 =	sshrl.u32 s30, $0x2  }
0xba: {  	s26 =	sadd.s32 $0x320, s26;
	[tilespmem:s28+$0x12C30] =	vst v1;
	s28 =	smul.u32 $0x320, s25  }
0xbb: {  	[tilespmem:s10], [sflag:$0x1] =	stream.indirect.gather [hbm4b:s3+s9], $0x40, s26, s9, $0xb8;
	[tilespmem:$0x14C40] =	vst v63  }
0xbc: {  	s31 =	sshra.s32 s28, $0x2  }
0xbd: {  	v30 =	vld [tilespmem:s31+$0x0]  }
0xbe: {  	v31 =	vld [tilespmem:s31+$0x10]  }
0xbf: {  	v28 =	vld [tilespmem:s31+$0x20]  }
0xc0: {  	v27 =	vld [tilespmem:s31+$0x30]  }
0xc1: {  	v26 =	vld [tilespmem:s31+$0x40]  }
0xc2: {  	v25 =	vld [tilespmem:s31+$0x50]  }
0xc3: {  	v24 =	vld [tilespmem:s31+$0x60]  }
0xc4: {  	v23 =	vld [tilespmem:s31+$0x70]  }
0xc5: {  	v21 =	vld [tilespmem:s31+$0x80]  }
0xc6: {  	v20 =	vld [tilespmem:s31+$0x90]  }
0xc7: {  	v19 =	vld [tilespmem:s31+$0xA0]  }
0xc8: {  	v18 =	vld [tilespmem:s31+$0xB0]  }
0xc9: {  	v15 =	vld [tilespmem:s31+$0xB8];
	_ =	swait.ge [sflag:s16], $0x3200  }
0xca: {  	[sflag:s16] =	ssyncset.done $0x0  }
0xcb: {  	s26 =	simm.s32 $0x0;
	[sflag:s16] =	ssyncadd.s32 $0xFFFFCE00  }
0xcc: {  	v7 =	vld [tilespmem:s26+$0x9780]  }
0xcd: {  	v4 =	vld [tilespmem:s26+$0x9790]  }
0xce: {  	v3 =	vld [tilespmem:s26+$0x97A0]  }
0xcf: {  	v1 =	vld [tilespmem:s26+$0x97B0]  }
0xd0: {  	v5 =	vld [tilespmem:s26+$0x97C0]  }
0xd1: {  	v2 =	vld [tilespmem:s26+$0x97D0]  }
0xd2: {  	v17 =	vld [tilespmem:s26+$0x9700]  }
0xd3: {  	v13 =	vld [tilespmem:s26+$0x9710]  }
0xd4: {  	v10 =	vld [tilespmem:s26+$0x9720]  }
0xd5: {  	v6 =	vld [tilespmem:s26+$0x9730]  }
0xd6: {  	v12 =	vld [tilespmem:s26+$0x9740]  }
0xd7: {  	v8 =	vld [tilespmem:s26+$0x9680]  }
0xd8: {  	v11 =	vld [tilespmem:s26+$0x9690]  }
0xd9: {  	v14 =	vld [tilespmem:s26+$0x9600]  }
0xda: {  	v22 =	vld [tilespmem:s26+$0x9610]  }
0xdb: {  	v29 =	vld [tilespmem:s26+$0x9620]  }
0xdc: {  	v61 =	vld [tilespmem:s26+$0x9630]  }
0xdd: {  	v62 =	vld [tilespmem:s26+$0x96A0]  }
0xde: {  	v39 =	vld [tilespmem:s26+$0x96B0]  }
0xdf: {  	v16 =	vimm.f32 $0.0e+00;
	v9 =	vld [tilespmem:s26+$0x9750]  }
0xe0: {  	v33 =	vld [tilespmem:s26+$0x96C0];
	v14 =	vadd.f32 v14, v16;
	v63 =	vadd.f32 v22, v16  }
0xe1: {  	v37 =	vld [tilespmem:s26+$0x9640];
	v29 =	vadd.f32 v29, v16;
	v32 =	vadd.f32 v61, v16  }
0xe2: {  	v35 =	vld [tilespmem:s26+$0x9650];
	v38 =	vadd.f32 v8, v14;
	v36 =	vadd.f32 v11, v63  }
0xe3: {  	v22 =	vld [tilespmem:s26+$0x96D0];
	v34 =	vadd.f32 v62, v29;
	v29 =	vadd.f32 v39, v32  }
0xe4: {  	s28 =	simm.s32 $0x800;
	v32 =	vld [tilespmem:s26+$0x9660];
	v14 =	vimm.f32 $0.0e+00;
	v11 =	vimm.f32 $0.0e+00;
	v8 =	vimm.f32 $0.0e+00  }
.LBB2_5:
0xe5: {  	p0 =	sne.s32 s28, $0xC000;
	v39 =	vld [tilespmem:s26+$0x9670];
	v17 =	vadd.f32 v17, v38;
	v13 =	vadd.f32 v13, v36  }
0xe6: {  	v36 =	vld [tilespmem:s26+$0x96E0];
	v10 =	vadd.f32 v10, v34;
	v6 =	vadd.f32 v6, v29  }
0xe7: {  	v29 =	vld [tilespmem:s26+$0x96F0];
	v34 =	vadd.f32 v7, v17;
	v38 =	vadd.f32 v4, v13  }
0xe8: {  	v13 =	vld [tilespmem:s26+$0x9760];
	v40 =	vadd.f32 v3, v10;
	v41 =	vadd.f32 v1, v6  }
0xe9: {  	v1 =	vadd.f32 v37, v16;
	v3 =	vadd.f32 v35, v14;
	v6 =	vld [tilespmem:s26+$0x9770]  }
0xea: {  	v4 =	vadd.f32 v32, v11;
	v8 =	vadd.f32 v39, v8;
	v10 =	vld [tilespmem:s26+$0x97E0]  }
0xeb: {  	v1 =	vadd.f32 v33, v1;
	v3 =	vadd.f32 v22, v3;
	v17 =	vld [tilespmem:s26+$0x97F0];
	s26 =	sshra.s32 s28, $0x2  }
0xec: {  	v11 =	vadd.f32 v36, v4;
	v7 =	vld [tilespmem:s26+$0x9780];
	v8 =	vadd.f32 v29, v8  }
0xed: {  	v12 =	vadd.f32 v12, v1;
	v9 =	vadd.f32 v9, v3;
	v4 =	vld [tilespmem:s26+$0x9790]  }
0xee: {  	v11 =	vadd.f32 v13, v11;
	v3 =	vld [tilespmem:s26+$0x97A0];
	v6 =	vadd.f32 v6, v8  }
0xef: {  	v16 =	vadd.f32 v5, v12;
	v14 =	vadd.f32 v2, v9;
	v1 =	vld [tilespmem:s26+$0x97B0]  }
0xf0: {  	v11 =	vadd.f32 v10, v11;
	v5 =	vld [tilespmem:s26+$0x97C0];
	v8 =	vadd.f32 v17, v6  }
0xf1: {  	v2 =	vld [tilespmem:s26+$0x97D0]  }
0xf2: {  	v17 =	vld [tilespmem:s26+$0x9700]  }
0xf3: {  	v13 =	vld [tilespmem:s26+$0x9710]  }
0xf4: {  	v10 =	vld [tilespmem:s26+$0x9720]  }
0xf5: {  	v6 =	vld [tilespmem:s26+$0x9730]  }
0xf6: {  	v12 =	vld [tilespmem:s26+$0x9740]  }
0xf7: {  	v9 =	vld [tilespmem:s26+$0x9750]  }
0xf8: {  	v29 =	vld [tilespmem:s26+$0x9680]  }
0xf9: {  	v32 =	vld [tilespmem:s26+$0x9690]  }
0xfa: {  	v22 =	vld [tilespmem:s26+$0x9600]  }
0xfb: {  	v35 =	vld [tilespmem:s26+$0x9610]  }
0xfc: {  	v36 =	vld [tilespmem:s26+$0x9620]  }
0xfd: {  	v37 =	vld [tilespmem:s26+$0x9630]  }
0xfe: {  	v39 =	vld [tilespmem:s26+$0x96A0]  }
0xff: {  	v42 =	vld [tilespmem:s26+$0x96B0]  }
.Ltmp1:
0x100: {  	v33 =	vld [tilespmem:s26+$0x96C0];
	(pc) =	sbr.rel @p0 .LBB2_5-.Ltmp1, $4  }
0x101: {  	v34 =	vadd.f32 v22, v34;
	v43 =	vadd.f32 v35, v38;
	v22 =	vld [tilespmem:s26+$0x96D0]  }
0x102: {  	v40 =	vadd.f32 v36, v40;
	v41 =	vadd.f32 v37, v41;
	v37 =	vld [tilespmem:s26+$0x9640]  }
0x103: {  	v38 =	vadd.f32 v29, v34;
	v36 =	vadd.f32 v32, v43;
	v35 =	vld [tilespmem:s26+$0x9650]  }
0x104: {  	s28 =	sadd.s32 $0x800, s28;
	v34 =	vadd.f32 v39, v40;
	v32 =	vld [tilespmem:s26+$0x9660];
	v29 =	vadd.f32 v42, v41  }
0x105: {  	vm1 =	veq.s32 v30, $0x0;
	vm2 =	veq.s32 v31, $0x0  }
0x106: {  	v30 =	vsel vm1, $0x1, v0;
	v31 =	vsel vm2, $0x1, v0;
	vm1 =	veq.s32 v28, $0x0  }
0x107: {  	v28 =	vadd.s32 v31, v30;
	v30 =	vsel vm1, $0x1, v0;
	vm1 =	veq.s32 v27, $0x0  }
0x108: {  	v27 =	vadd.s32 v30, v28;
	v28 =	vsel vm1, $0x1, v0;
	vm1 =	veq.s32 v26, $0x0  }
0x109: {  	v26 =	vadd.s32 v28, v27;
	v27 =	vsel vm1, $0x1, v0;
	vm1 =	veq.s32 v25, $0x0  }
0x10a: {  	v25 =	vadd.s32 v27, v26;
	v26 =	vsel vm1, $0x1, v0;
	vm1 =	veq.s32 v24, $0x0  }
0x10b: {  	v24 =	vadd.s32 v26, v25;
	v25 =	vsel vm1, $0x1, v0;
	vm1 =	veq.s32 v23, $0x0  }
0x10c: {  	v23 =	vadd.s32 v25, v24;
	v24 =	vsel vm1, $0x1, v0;
	vm1 =	veq.s32 v21, $0x0  }
0x10d: {  	v21 =	vadd.s32 v24, v23;
	v23 =	vsel vm1, $0x1, v0;
	vm1 =	veq.s32 v20, $0x0  }
0x10e: {  	v20 =	vadd.s32 v23, v21;
	v21 =	vsel vm1, $0x1, v0;
	vm1 =	veq.s32 v19, $0x0  }
0x10f: {  	v19 =	vadd.s32 v21, v20;
	v20 =	vsel vm1, $0x1, v0;
	vm1 =	veq.s32 v18, $0x0  }
0x110: {  	v18 =	vadd.s32 v20, v19;
	v19 =	vsel vm1, $0x1, v0  }
0x111: {  	v18 =	vadd.s32 v19, v18  }
0x112: {  	(v2sf) =	vpush v18, $0x0  }
0x113: {  	(v2sf) =	vpush v18, $0x1  }
0x114: {  	(v2sf) =	vpush v18, $0x2  }
0x115: {  	(v2sf) =	vpush v18, $0x3  }
0x116: {  	vm1 =	veq.s32 v15, $0x0;
	(v2sf) =	vpush v18, $0x4  }
0x117: {  	vm1 =	vmand vm1, vm0;
	(v2sf) =	vpush v18, $0x5  }
0x118: {  	v15 =	vsel vm1, $0x1, v0;
	(v2sf) =	vpush v18, $0x6  }
0x119: {  	v15 =	vadd.s32 v15, v18;
	(v2sf) =	vpush v18, $0x7  }
0x11a: {  	(v2sf) =	vpush v15, $0x8  }
0x11b: {  	(v2sf) =	vpush v15, $0x9  }
0x11c: {  	(v2sf) =	vpush v15, $0xA  }
0x11d: {  	(v2sf) =	vpush v15, $0xB  }
0x11e: {  	(v2sf) =	vpush v15, $0xC  }
0x11f: {  	(v2sf) =	vpush v15, $0xD  }
0x120: {  	(v2sf) =	vpush v15, $0xE  }
0x121: {  	s28 =	spop (v2sf);
	(v2sf) =	vpush v15, $0xF  }
0x122: {  	s29 =	spop (v2sf)  }
0x123: {  	s28 =	sadd.s32 s29, s28;
	s31 =	spop (v2sf)  }
0x124: {  	s28 =	sadd.s32 s31, s28;
	s30 =	spop (v2sf)  }
0x125: {  	s28 =	sadd.s32 s30, s28;
	s31 =	spop (v2sf)  }
0x126: {  	s28 =	sadd.s32 s31, s28;
	s30 =	spop (v2sf)  }
0x127: {  	s28 =	sadd.s32 s30, s28;
	s31 =	spop (v2sf)  }
0x128: {  	s28 =	sadd.s32 s31, s28;
	s30 =	spop (v2sf)  }
0x129: {  	s28 =	sadd.s32 s30, s28;
	s31 =	spop (v2sf)  }
0x12a: {  	s28 =	sadd.s32 s31, s28;
	s30 =	spop (v2sf)  }
0x12b: {  	s28 =	sadd.s32 s30, s28;
	s31 =	spop (v2sf)  }
0x12c: {  	s28 =	sadd.s32 s31, s28;
	s30 =	spop (v2sf)  }
0x12d: {  	s28 =	sadd.s32 s30, s28;
	s31 =	spop (v2sf)  }
0x12e: {  	s28 =	sadd.s32 s31, s28;
	s30 =	spop (v2sf)  }
0x12f: {  	s28 =	sadd.s32 s30, s28;
	s31 =	spop (v2sf)  }
0x130: {  	s28 =	sadd.s32 s31, s28;
	s30 =	spop (v2sf)  }
0x131: {  	s28 =	sadd.s32 s30, s28  }
0x132: {  	s28 =	scvt.s32.f32 s28;
	_ =	sdelay $0x1  }
0x133: {  	v15 =	vmov s28  }
0x134: {  	v15 =	vsub.f32 $2.000000000e+02, v15  }
0x135: {  	v16 =	vadd.f32 v37, v16  }
0x136: {  	v15 =	vmax.f32 v15, $1.000000000e+00  }
0x137: {  	v16 =	vadd.f32 v33, v16;
	(erf) = vrcp.f32 v15  }
0x138: {  	v15 =	vld [tilespmem:$0x14C00]  }
0x139: {  	v17 =	vadd.f32 v17, v38;
	v12 =	vadd.f32 v12, v16;
	_ =	sdelay $0x1  }
0x13a: {  	v7 =	vadd.f32 v7, v17;
	v5 =	vadd.f32 v5, v12;
	_ =	sdelay $0x1  }
0x13b: {  	v17 =	vld [tilespmem:s26+$0x9760];
	v5 =	vadd.f32 v5, v7;
	v7 =	vmul.f32 s28, v15  }
0x13c: {  	v16 =	vld [tilespmem:s26+$0x96E0]  }
0x13d: {  	v12 =	vld [tilespmem:s26+$0x9670];
	v5 =	vsub.f32 v5, v7  }
0x13e: {  	v20 =	vld [tilespmem:s26+$0x97F0];
	v18 =	vpop (erf)  }
0x13f: {  	s25 =	sshll.u32 s25, $0x6;
	v14 =	vadd.f32 v35, v14;
	v19 =	vld [tilespmem:s26+$0x97E0];
	v5 =	vmul.f32 v5, v18  }
0x140: {  	s31 =	sand.u32 $0x3FFFFFC0, s25;
	v15 =	vld [tilespmem:s26+$0x96F0]  }
0x141: {  	v14 =	vadd.f32 v22, v14;
	v7 =	vld [tilespmem:s26+$0x9770];
	[tilespmem:s31+$0x12C00] =	vst v5  }
0x142: {  	v5 =	vld [tilespmem:$0x14C10]  }
0x143: {  	v13 =	vadd.f32 v13, v36;
	v9 =	vadd.f32 v9, v14;
	_ =	sdelay $0x1  }
0x144: {  	v4 =	vadd.f32 v4, v13;
	v2 =	vadd.f32 v2, v9;
	_ =	sdelay $0x1  }
0x145: {  	v2 =	vadd.f32 v2, v4;
	v4 =	vmul.f32 s28, v5;
	_ =	sdelay $0x1  }
0x146: {  	v2 =	vsub.f32 v2, v4;
	_ =	sdelay $0x1  }
0x147: {  	v4 =	vadd.f32 v32, v11;
	v2 =	vmul.f32 v2, v18;
	_ =	sdelay $0x1  }
0x148: {  	v4 =	vadd.f32 v16, v4;
	[tilespmem:s31+$0x12C10] =	vst v2  }
0x149: {  	v2 =	vld [tilespmem:$0x14C20]  }
0x14a: {  	v5 =	vadd.f32 v10, v34;
	v4 =	vadd.f32 v17, v4;
	_ =	sdelay $0x1  }
0x14b: {  	v3 =	vadd.f32 v3, v5;
	v4 =	vadd.f32 v19, v4;
	_ =	sdelay $0x1  }
0x14c: {  	v3 =	vadd.f32 v4, v3;
	v2 =	vmul.f32 s28, v2;
	_ =	sdelay $0x1  }
0x14d: {  	v2 =	vsub.f32 v3, v2;
	_ =	sdelay $0x1  }
0x14e: {  	v3 =	vadd.f32 v12, v8;
	v2 =	vmul.f32 v2, v18;
	_ =	sdelay $0x1  }
0x14f: {  	v3 =	vadd.f32 v15, v3;
	[tilespmem:s31+$0x12C20] =	vst v2  }
0x150: {  	v2 =	vld [tilespmem:$0x14C30]  }
0x151: {  	v4 =	vadd.f32 v6, v29;
	v3 =	vadd.f32 v7, v3;
	_ =	sdelay $0x1  }
0x152: {  	v1 =	vadd.f32 v1, v4;
	v3 =	vadd.f32 v20, v3;
	_ =	sdelay $0x1  }
0x153: {  	s29 =	smin.u32 s24, $0x7A;
	v1 =	vadd.f32 v3, v1;
	v2 =	vmul.f32 s28, v2  }
0x154: {  	s28 =	smul.u32 $0x320, s29  }
0x155: {  	v1 =	vsub.f32 v1, v2  }
0x156: {  	s25 =	sor.u32 $0x2, s24;
	s28 =	sshrl.u32 s28, $0x2  }
0x157: {  	s30 =	sadd.s32 $0x3E8, s28;
	s28 =	smul.u32 $0x320, s25;
	v1 =	vmul.f32 v1, v18;
	_ =	sdelay $0x1  }
0x158: {  	[tilespmem:s31+$0x12C30] =	vst v1;
	s31 =	sshra.s32 s28, $0x2  }
0x159: {  	[tilespmem:s11], [sflag:$0x2] =	stream.indirect.gather [hbm4b:s3+s9], $0x40, s30, s9, $0xb8;
	[tilespmem:$0x14C40] =	vst v63  }
0x15a: {  	v30 =	vld [tilespmem:s31+$0x0]  }
0x15b: {  	v31 =	vld [tilespmem:s31+$0x10]  }
0x15c: {  	v28 =	vld [tilespmem:s31+$0x20]  }
0x15d: {  	v27 =	vld [tilespmem:s31+$0x30]  }
0x15e: {  	v26 =	vld [tilespmem:s31+$0x40]  }
0x15f: {  	v25 =	vld [tilespmem:s31+$0x50]  }
0x160: {  	v24 =	vld [tilespmem:s31+$0x60]  }
0x161: {  	v23 =	vld [tilespmem:s31+$0x70]  }
0x162: {  	v21 =	vld [tilespmem:s31+$0x80]  }
0x163: {  	v20 =	vld [tilespmem:s31+$0x90]  }
0x164: {  	v19 =	vld [tilespmem:s31+$0xA0]  }
0x165: {  	v18 =	vld [tilespmem:s31+$0xB0]  }
0x166: {  	v15 =	vld [tilespmem:s31+$0xB8];
	_ =	swait.ge [sflag:s17], $0x3200  }
0x167: {  	[sflag:s17] =	ssyncset.done $0x0  }
0x168: {  	s26 =	simm.s32 $0x0;
	[sflag:s17] =	ssyncadd.s32 $0xFFFFCE00  }
0x169: {  	v7 =	vld [tilespmem:s26+$0xC980]  }
0x16a: {  	v4 =	vld [tilespmem:s26+$0xC990]  }
0x16b: {  	v3 =	vld [tilespmem:s26+$0xC9A0]  }
0x16c: {  	v1 =	vld [tilespmem:s26+$0xC9B0]  }
0x16d: {  	v5 =	vld [tilespmem:s26+$0xC9C0]  }
0x16e: {  	v2 =	vld [tilespmem:s26+$0xC9D0]  }
0x16f: {  	v17 =	vld [tilespmem:s26+$0xC900]  }
0x170: {  	v13 =	vld [tilespmem:s26+$0xC910]  }
0x171: {  	v10 =	vld [tilespmem:s26+$0xC920]  }
0x172: {  	v6 =	vld [tilespmem:s26+$0xC930]  }
0x173: {  	v12 =	vld [tilespmem:s26+$0xC940]  }
0x174: {  	v8 =	vld [tilespmem:s26+$0xC880]  }
0x175: {  	v11 =	vld [tilespmem:s26+$0xC890]  }
0x176: {  	v14 =	vld [tilespmem:s26+$0xC800]  }
0x177: {  	v22 =	vld [tilespmem:s26+$0xC810]  }
0x178: {  	v29 =	vld [tilespmem:s26+$0xC820]  }
0x179: {  	v61 =	vld [tilespmem:s26+$0xC830]  }
0x17a: {  	v62 =	vld [tilespmem:s26+$0xC8A0]  }
0x17b: {  	v39 =	vld [tilespmem:s26+$0xC8B0]  }
0x17c: {  	v16 =	vimm.f32 $0.0e+00;
	v9 =	vld [tilespmem:s26+$0xC950]  }
0x17d: {  	v33 =	vld [tilespmem:s26+$0xC8C0];
	v14 =	vadd.f32 v14, v16;
	v63 =	vadd.f32 v22, v16  }
0x17e: {  	v37 =	vld [tilespmem:s26+$0xC840];
	v29 =	vadd.f32 v29, v16;
	v32 =	vadd.f32 v61, v16  }
0x17f: {  	v35 =	vld [tilespmem:s26+$0xC850];
	v38 =	vadd.f32 v8, v14;
	v36 =	vadd.f32 v11, v63  }
0x180: {  	v22 =	vld [tilespmem:s26+$0xC8D0];
	v34 =	vadd.f32 v62, v29;
	v29 =	vadd.f32 v39, v32  }
0x181: {  	s28 =	simm.s32 $0x800;
	v32 =	vld [tilespmem:s26+$0xC860];
	v14 =	vimm.f32 $0.0e+00;
	v11 =	vimm.f32 $0.0e+00;
	v8 =	vimm.f32 $0.0e+00  }
.LBB2_7:
0x182: {  	p0 =	sne.s32 s28, $0xC000;
	v39 =	vld [tilespmem:s26+$0xC870];
	v17 =	vadd.f32 v17, v38;
	v13 =	vadd.f32 v13, v36  }
0x183: {  	v36 =	vld [tilespmem:s26+$0xC8E0];
	v10 =	vadd.f32 v10, v34;
	v6 =	vadd.f32 v6, v29  }
0x184: {  	v29 =	vld [tilespmem:s26+$0xC8F0];
	v34 =	vadd.f32 v7, v17;
	v38 =	vadd.f32 v4, v13  }
0x185: {  	v13 =	vld [tilespmem:s26+$0xC960];
	v40 =	vadd.f32 v3, v10;
	v41 =	vadd.f32 v1, v6  }
0x186: {  	v1 =	vadd.f32 v37, v16;
	v3 =	vadd.f32 v35, v14;
	v6 =	vld [tilespmem:s26+$0xC970]  }
0x187: {  	v4 =	vadd.f32 v32, v11;
	v8 =	vadd.f32 v39, v8;
	v10 =	vld [tilespmem:s26+$0xC9E0]  }
0x188: {  	v1 =	vadd.f32 v33, v1;
	v3 =	vadd.f32 v22, v3;
	v17 =	vld [tilespmem:s26+$0xC9F0];
	s26 =	sshra.s32 s28, $0x2  }
0x189: {  	v11 =	vadd.f32 v36, v4;
	v7 =	vld [tilespmem:s26+$0xC980];
	v8 =	vadd.f32 v29, v8  }
0x18a: {  	v12 =	vadd.f32 v12, v1;
	v9 =	vadd.f32 v9, v3;
	v4 =	vld [tilespmem:s26+$0xC990]  }
0x18b: {  	v11 =	vadd.f32 v13, v11;
	v3 =	vld [tilespmem:s26+$0xC9A0];
	v6 =	vadd.f32 v6, v8  }
0x18c: {  	v16 =	vadd.f32 v5, v12;
	v14 =	vadd.f32 v2, v9;
	v1 =	vld [tilespmem:s26+$0xC9B0]  }
0x18d: {  	v11 =	vadd.f32 v10, v11;
	v5 =	vld [tilespmem:s26+$0xC9C0];
	v8 =	vadd.f32 v17, v6  }
0x18e: {  	v2 =	vld [tilespmem:s26+$0xC9D0]  }
0x18f: {  	v17 =	vld [tilespmem:s26+$0xC900]  }
0x190: {  	v13 =	vld [tilespmem:s26+$0xC910]  }
0x191: {  	v10 =	vld [tilespmem:s26+$0xC920]  }
0x192: {  	v6 =	vld [tilespmem:s26+$0xC930]  }
0x193: {  	v12 =	vld [tilespmem:s26+$0xC940]  }
0x194: {  	v9 =	vld [tilespmem:s26+$0xC950]  }
0x195: {  	v29 =	vld [tilespmem:s26+$0xC880]  }
0x196: {  	v32 =	vld [tilespmem:s26+$0xC890]  }
0x197: {  	v22 =	vld [tilespmem:s26+$0xC800]  }
0x198: {  	v35 =	vld [tilespmem:s26+$0xC810]  }
0x199: {  	v36 =	vld [tilespmem:s26+$0xC820]  }
0x19a: {  	v37 =	vld [tilespmem:s26+$0xC830]  }
0x19b: {  	v39 =	vld [tilespmem:s26+$0xC8A0]  }
0x19c: {  	v42 =	vld [tilespmem:s26+$0xC8B0]  }
.Ltmp2:
0x19d: {  	v33 =	vld [tilespmem:s26+$0xC8C0];
	(pc) =	sbr.rel @p0 .LBB2_7-.Ltmp2, $4  }
0x19e: {  	v34 =	vadd.f32 v22, v34;
	v43 =	vadd.f32 v35, v38;
	v22 =	vld [tilespmem:s26+$0xC8D0]  }
0x19f: {  	v40 =	vadd.f32 v36, v40;
	v41 =	vadd.f32 v37, v41;
	v37 =	vld [tilespmem:s26+$0xC840]  }
0x1a0: {  	v38 =	vadd.f32 v29, v34;
	v36 =	vadd.f32 v32, v43;
	v35 =	vld [tilespmem:s26+$0xC850]  }
0x1a1: {  	s28 =	sadd.s32 $0x800, s28;
	v34 =	vadd.f32 v39, v40;
	v32 =	vld [tilespmem:s26+$0xC860];
	v29 =	vadd.f32 v42, v41  }
0x1a2: {  	vm1 =	veq.s32 v30, $0x0;
	vm2 =	veq.s32 v31, $0x0  }
0x1a3: {  	v30 =	vsel vm1, $0x1, v0;
	v31 =	vsel vm2, $0x1, v0;
	vm1 =	veq.s32 v28, $0x0  }
0x1a4: {  	v28 =	vadd.s32 v31, v30;
	v30 =	vsel vm1, $0x1, v0;
	vm1 =	veq.s32 v27, $0x0  }
0x1a5: {  	v27 =	vadd.s32 v30, v28;
	v28 =	vsel vm1, $0x1, v0;
	vm1 =	veq.s32 v26, $0x0  }
0x1a6: {  	v26 =	vadd.s32 v28, v27;
	v27 =	vsel vm1, $0x1, v0;
	vm1 =	veq.s32 v25, $0x0  }
0x1a7: {  	v25 =	vadd.s32 v27, v26;
	v26 =	vsel vm1, $0x1, v0;
	vm1 =	veq.s32 v24, $0x0  }
0x1a8: {  	v24 =	vadd.s32 v26, v25;
	v25 =	vsel vm1, $0x1, v0;
	vm1 =	veq.s32 v23, $0x0  }
0x1a9: {  	v23 =	vadd.s32 v25, v24;
	v24 =	vsel vm1, $0x1, v0;
	vm1 =	veq.s32 v21, $0x0  }
0x1aa: {  	v21 =	vadd.s32 v24, v23;
	v23 =	vsel vm1, $0x1, v0;
	vm1 =	veq.s32 v20, $0x0  }
0x1ab: {  	v20 =	vadd.s32 v23, v21;
	v21 =	vsel vm1, $0x1, v0;
	vm1 =	veq.s32 v19, $0x0  }
0x1ac: {  	v19 =	vadd.s32 v21, v20;
	v20 =	vsel vm1, $0x1, v0;
	vm1 =	veq.s32 v18, $0x0  }
0x1ad: {  	v18 =	vadd.s32 v20, v19;
	v19 =	vsel vm1, $0x1, v0  }
0x1ae: {  	v18 =	vadd.s32 v19, v18  }
0x1af: {  	(v2sf) =	vpush v18, $0x0  }
0x1b0: {  	(v2sf) =	vpush v18, $0x1  }
0x1b1: {  	(v2sf) =	vpush v18, $0x2  }
0x1b2: {  	(v2sf) =	vpush v18, $0x3  }
0x1b3: {  	vm1 =	veq.s32 v15, $0x0;
	(v2sf) =	vpush v18, $0x4  }
0x1b4: {  	vm1 =	vmand vm1, vm0;
	(v2sf) =	vpush v18, $0x5  }
0x1b5: {  	v15 =	vsel vm1, $0x1, v0;
	(v2sf) =	vpush v18, $0x6  }
0x1b6: {  	v15 =	vadd.s32 v15, v18;
	(v2sf) =	vpush v18, $0x7  }
0x1b7: {  	(v2sf) =	vpush v15, $0x8  }
0x1b8: {  	(v2sf) =	vpush v15, $0x9  }
0x1b9: {  	(v2sf) =	vpush v15, $0xA  }
0x1ba: {  	(v2sf) =	vpush v15, $0xB  }
0x1bb: {  	(v2sf) =	vpush v15, $0xC  }
0x1bc: {  	(v2sf) =	vpush v15, $0xD  }
0x1bd: {  	(v2sf) =	vpush v15, $0xE  }
0x1be: {  	s28 =	spop (v2sf);
	(v2sf) =	vpush v15, $0xF  }
0x1bf: {  	s29 =	spop (v2sf)  }
0x1c0: {  	s28 =	sadd.s32 s29, s28;
	s30 =	spop (v2sf)  }
0x1c1: {  	s28 =	sadd.s32 s30, s28;
	s31 =	spop (v2sf)  }
0x1c2: {  	s28 =	sadd.s32 s31, s28;
	s30 =	spop (v2sf)  }
0x1c3: {  	s28 =	sadd.s32 s30, s28;
	s31 =	spop (v2sf)  }
0x1c4: {  	s28 =	sadd.s32 s31, s28;
	s30 =	spop (v2sf)  }
0x1c5: {  	s28 =	sadd.s32 s30, s28;
	s31 =	spop (v2sf)  }
0x1c6: {  	s28 =	sadd.s32 s31, s28;
	s30 =	spop (v2sf)  }
0x1c7: {  	s28 =	sadd.s32 s30, s28;
	s31 =	spop (v2sf)  }
0x1c8: {  	s28 =	sadd.s32 s31, s28;
	s30 =	spop (v2sf)  }
0x1c9: {  	s28 =	sadd.s32 s30, s28;
	s31 =	spop (v2sf)  }
0x1ca: {  	s28 =	sadd.s32 s31, s28;
	s30 =	spop (v2sf)  }
0x1cb: {  	s28 =	sadd.s32 s30, s28;
	s31 =	spop (v2sf)  }
0x1cc: {  	s28 =	sadd.s32 s31, s28;
	s30 =	spop (v2sf)  }
0x1cd: {  	s28 =	sadd.s32 s30, s28;
	s31 =	spop (v2sf)  }
0x1ce: {  	s28 =	sadd.s32 s31, s28  }
0x1cf: {  	s28 =	scvt.s32.f32 s28;
	_ =	sdelay $0x1  }
0x1d0: {  	v15 =	vmov s28  }
0x1d1: {  	v15 =	vsub.f32 $2.000000000e+02, v15  }
0x1d2: {  	v16 =	vadd.f32 v37, v16  }
0x1d3: {  	v15 =	vmax.f32 v15, $1.000000000e+00  }
0x1d4: {  	v16 =	vadd.f32 v33, v16;
	(erf) = vrcp.f32 v15  }
0x1d5: {  	v15 =	vld [tilespmem:$0x14C00]  }
0x1d6: {  	v17 =	vadd.f32 v17, v38;
	v12 =	vadd.f32 v12, v16;
	_ =	sdelay $0x1  }
0x1d7: {  	v7 =	vadd.f32 v7, v17;
	v5 =	vadd.f32 v5, v12;
	_ =	sdelay $0x1  }
0x1d8: {  	v17 =	vld [tilespmem:s26+$0xC960];
	v5 =	vadd.f32 v5, v7;
	v7 =	vmul.f32 s28, v15  }
0x1d9: {  	v16 =	vld [tilespmem:s26+$0xC8E0]  }
0x1da: {  	v12 =	vld [tilespmem:s26+$0xC870];
	v5 =	vsub.f32 v5, v7  }
0x1db: {  	v20 =	vld [tilespmem:s26+$0xC9F0];
	v18 =	vpop (erf)  }
0x1dc: {  	s25 =	sshll.u32 s25, $0x6;
	v14 =	vadd.f32 v35, v14;
	v19 =	vld [tilespmem:s26+$0xC9E0];
	v5 =	vmul.f32 v5, v18  }
0x1dd: {  	s25 =	sand.u32 $0x3FFFFFC0, s25;
	v15 =	vld [tilespmem:s26+$0xC8F0]  }
0x1de: {  	v14 =	vadd.f32 v22, v14;
	v7 =	vld [tilespmem:s26+$0xC970];
	[tilespmem:s25+$0x12C00] =	vst v5  }
0x1df: {  	v5 =	vld [tilespmem:$0x14C10]  }
0x1e0: {  	v13 =	vadd.f32 v13, v36;
	v9 =	vadd.f32 v9, v14;
	_ =	sdelay $0x1  }
0x1e1: {  	v4 =	vadd.f32 v4, v13;
	v2 =	vadd.f32 v2, v9;
	_ =	sdelay $0x1  }
0x1e2: {  	v2 =	vadd.f32 v2, v4;
	v4 =	vmul.f32 s28, v5;
	_ =	sdelay $0x1  }
0x1e3: {  	v2 =	vsub.f32 v2, v4;
	_ =	sdelay $0x1  }
0x1e4: {  	v4 =	vadd.f32 v32, v11;
	v2 =	vmul.f32 v2, v18;
	_ =	sdelay $0x1  }
0x1e5: {  	v4 =	vadd.f32 v16, v4;
	[tilespmem:s25+$0x12C10] =	vst v2  }
0x1e6: {  	v2 =	vld [tilespmem:$0x14C20]  }
0x1e7: {  	v5 =	vadd.f32 v10, v34;
	v4 =	vadd.f32 v17, v4;
	_ =	sdelay $0x1  }
0x1e8: {  	v3 =	vadd.f32 v3, v5;
	v4 =	vadd.f32 v19, v4;
	_ =	sdelay $0x1  }
0x1e9: {  	v3 =	vadd.f32 v4, v3;
	v2 =	vmul.f32 s28, v2;
	_ =	sdelay $0x1  }
0x1ea: {  	v2 =	vsub.f32 v3, v2;
	_ =	sdelay $0x1  }
0x1eb: {  	v3 =	vadd.f32 v12, v8;
	v2 =	vmul.f32 v2, v18;
	_ =	sdelay $0x1  }
0x1ec: {  	v3 =	vadd.f32 v15, v3;
	[tilespmem:s25+$0x12C20] =	vst v2  }
0x1ed: {  	v2 =	vld [tilespmem:$0x14C30]  }
0x1ee: {  	v4 =	vadd.f32 v6, v29;
	v3 =	vadd.f32 v7, v3;
	_ =	sdelay $0x1  }
0x1ef: {  	v1 =	vadd.f32 v1, v4;
	v3 =	vadd.f32 v20, v3;
	_ =	sdelay $0x1  }
0x1f0: {  	v1 =	vadd.f32 v3, v1;
	v2 =	vmul.f32 s28, v2;
	_ =	sdelay $0x1  }
0x1f1: {  	s24 =	smin.u32 s24, $0x79;
	v1 =	vsub.f32 v1, v2  }
0x1f2: {  	s24 =	smul.u32 $0x320, s24  }
0x1f3: {  	v1 =	vmul.f32 v1, v18  }
0x1f4: {  	s24 =	sshrl.u32 s24, $0x2  }
0x1f5: {  	s24 =	sadd.s32 $0x4B0, s24;
	[tilespmem:s25+$0x12C30] =	vst v1  }
0x1f6: {  	[tilespmem:s13], [sflag:$0x3] =	stream.indirect.gather [hbm4b:s3+s9], $0x40, s24, s9, $0xb8;
	[tilespmem:$0x14C40] =	vst v63  }
0x1f7: {  	v30 =	vld [tilespmem:s23+$0x0]  }
0x1f8: {  	v31 =	vld [tilespmem:s23+$0x10]  }
0x1f9: {  	v28 =	vld [tilespmem:s23+$0x20]  }
0x1fa: {  	v27 =	vld [tilespmem:s23+$0x30]  }
0x1fb: {  	v26 =	vld [tilespmem:s23+$0x40]  }
0x1fc: {  	v25 =	vld [tilespmem:s23+$0x50]  }
0x1fd: {  	v24 =	vld [tilespmem:s23+$0x60]  }
0x1fe: {  	v23 =	vld [tilespmem:s23+$0x70]  }
0x1ff: {  	v21 =	vld [tilespmem:s23+$0x80]  }
0x200: {  	v20 =	vld [tilespmem:s23+$0x90]  }
0x201: {  	v19 =	vld [tilespmem:s23+$0xA0]  }
0x202: {  	v18 =	vld [tilespmem:s23+$0xB0]  }
0x203: {  	v15 =	vld [tilespmem:s23+$0xB8];
	_ =	swait.ge [sflag:s18], $0x3200  }
0x204: {  	[sflag:s18] =	ssyncset.done $0x0  }
0x205: {  	s23 =	simm.s32 $0x0;
	[sflag:s18] =	ssyncadd.s32 $0xFFFFCE00  }
0x206: {  	v7 =	vld [tilespmem:s23+$0xFB80]  }
0x207: {  	v4 =	vld [tilespmem:s23+$0xFB90]  }
0x208: {  	v3 =	vld [tilespmem:s23+$0xFBA0]  }
0x209: {  	v1 =	vld [tilespmem:s23+$0xFBB0]  }
0x20a: {  	v5 =	vld [tilespmem:s23+$0xFBC0]  }
0x20b: {  	v2 =	vld [tilespmem:s23+$0xFBD0]  }
0x20c: {  	v17 =	vld [tilespmem:s23+$0xFB00]  }
0x20d: {  	v13 =	vld [tilespmem:s23+$0xFB10]  }
0x20e: {  	v10 =	vld [tilespmem:s23+$0xFB20]  }
0x20f: {  	v6 =	vld [tilespmem:s23+$0xFB30]  }
0x210: {  	v12 =	vld [tilespmem:s23+$0xFB40]  }
0x211: {  	v8 =	vld [tilespmem:s23+$0xFA80]  }
0x212: {  	v11 =	vld [tilespmem:s23+$0xFA90]  }
0x213: {  	v14 =	vld [tilespmem:s23+$0xFA00]  }
0x214: {  	v22 =	vld [tilespmem:s23+$0xFA10]  }
0x215: {  	v29 =	vld [tilespmem:s23+$0xFA20]  }
0x216: {  	v61 =	vld [tilespmem:s23+$0xFA30]  }
0x217: {  	v62 =	vld [tilespmem:s23+$0xFAA0]  }
0x218: {  	v39 =	vld [tilespmem:s23+$0xFAB0]  }
0x219: {  	v16 =	vimm.f32 $0.0e+00;
	v9 =	vld [tilespmem:s23+$0xFB50]  }
0x21a: {  	v33 =	vld [tilespmem:s23+$0xFAC0];
	v14 =	vadd.f32 v14, v16;
	v63 =	vadd.f32 v22, v16  }
0x21b: {  	v37 =	vld [tilespmem:s23+$0xFA40];
	v29 =	vadd.f32 v29, v16;
	v32 =	vadd.f32 v61, v16  }
0x21c: {  	v35 =	vld [tilespmem:s23+$0xFA50];
	v38 =	vadd.f32 v8, v14;
	v36 =	vadd.f32 v11, v63  }
0x21d: {  	v22 =	vld [tilespmem:s23+$0xFAD0];
	v34 =	vadd.f32 v62, v29;
	v29 =	vadd.f32 v39, v32  }
0x21e: {  	s24 =	simm.s32 $0x800;
	v32 =	vld [tilespmem:s23+$0xFA60];
	v14 =	vimm.f32 $0.0e+00;
	v11 =	vimm.f32 $0.0e+00;
	v8 =	vimm.f32 $0.0e+00  }
.LBB2_9:
0x21f: {  	p0 =	sne.s32 s24, $0xC000;
	v39 =	vld [tilespmem:s23+$0xFA70];
	v17 =	vadd.f32 v17, v38;
	v13 =	vadd.f32 v13, v36  }
0x220: {  	v36 =	vld [tilespmem:s23+$0xFAE0];
	v10 =	vadd.f32 v10, v34;
	v6 =	vadd.f32 v6, v29  }
0x221: {  	v29 =	vld [tilespmem:s23+$0xFAF0];
	v34 =	vadd.f32 v7, v17;
	v38 =	vadd.f32 v4, v13  }
0x222: {  	v13 =	vld [tilespmem:s23+$0xFB60];
	v40 =	vadd.f32 v3, v10;
	v41 =	vadd.f32 v1, v6  }
0x223: {  	v1 =	vadd.f32 v37, v16;
	v3 =	vadd.f32 v35, v14;
	v6 =	vld [tilespmem:s23+$0xFB70]  }
0x224: {  	v4 =	vadd.f32 v32, v11;
	v8 =	vadd.f32 v39, v8;
	v10 =	vld [tilespmem:s23+$0xFBE0]  }
0x225: {  	v1 =	vadd.f32 v33, v1;
	v3 =	vadd.f32 v22, v3;
	v17 =	vld [tilespmem:s23+$0xFBF0];
	s23 =	sshra.s32 s24, $0x2  }
0x226: {  	v11 =	vadd.f32 v36, v4;
	v7 =	vld [tilespmem:s23+$0xFB80];
	v8 =	vadd.f32 v29, v8  }
0x227: {  	v12 =	vadd.f32 v12, v1;
	v9 =	vadd.f32 v9, v3;
	v4 =	vld [tilespmem:s23+$0xFB90]  }
0x228: {  	v11 =	vadd.f32 v13, v11;
	v3 =	vld [tilespmem:s23+$0xFBA0];
	v6 =	vadd.f32 v6, v8  }
0x229: {  	v16 =	vadd.f32 v5, v12;
	v14 =	vadd.f32 v2, v9;
	v1 =	vld [tilespmem:s23+$0xFBB0]  }
0x22a: {  	v11 =	vadd.f32 v10, v11;
	v5 =	vld [tilespmem:s23+$0xFBC0];
	v8 =	vadd.f32 v17, v6  }
0x22b: {  	v2 =	vld [tilespmem:s23+$0xFBD0]  }
0x22c: {  	v17 =	vld [tilespmem:s23+$0xFB00]  }
0x22d: {  	v13 =	vld [tilespmem:s23+$0xFB10]  }
0x22e: {  	v10 =	vld [tilespmem:s23+$0xFB20]  }
0x22f: {  	v6 =	vld [tilespmem:s23+$0xFB30]  }
0x230: {  	v12 =	vld [tilespmem:s23+$0xFB40]  }
0x231: {  	v9 =	vld [tilespmem:s23+$0xFB50]  }
0x232: {  	v29 =	vld [tilespmem:s23+$0xFA80]  }
0x233: {  	v32 =	vld [tilespmem:s23+$0xFA90]  }
0x234: {  	v22 =	vld [tilespmem:s23+$0xFA00]  }
0x235: {  	v35 =	vld [tilespmem:s23+$0xFA10]  }
0x236: {  	v36 =	vld [tilespmem:s23+$0xFA20]  }
0x237: {  	v37 =	vld [tilespmem:s23+$0xFA30]  }
0x238: {  	v39 =	vld [tilespmem:s23+$0xFAA0]  }
0x239: {  	v42 =	vld [tilespmem:s23+$0xFAB0]  }
.Ltmp3:
0x23a: {  	v33 =	vld [tilespmem:s23+$0xFAC0];
	(pc) =	sbr.rel @p0 .LBB2_9-.Ltmp3, $4  }
0x23b: {  	v34 =	vadd.f32 v22, v34;
	v43 =	vadd.f32 v35, v38;
	v22 =	vld [tilespmem:s23+$0xFAD0]  }
0x23c: {  	v40 =	vadd.f32 v36, v40;
	v41 =	vadd.f32 v37, v41;
	v37 =	vld [tilespmem:s23+$0xFA40]  }
0x23d: {  	v38 =	vadd.f32 v29, v34;
	v36 =	vadd.f32 v32, v43;
	v35 =	vld [tilespmem:s23+$0xFA50]  }
0x23e: {  	s24 =	sadd.s32 $0x800, s24;
	v34 =	vadd.f32 v39, v40;
	v32 =	vld [tilespmem:s23+$0xFA60];
	v29 =	vadd.f32 v42, v41  }
0x23f: {  	vm1 =	veq.s32 v30, $0x0;
	vm2 =	veq.s32 v31, $0x0  }
0x240: {  	v30 =	vsel vm1, $0x1, v0;
	v31 =	vsel vm2, $0x1, v0;
	vm1 =	veq.s32 v28, $0x0  }
0x241: {  	v56 =	vadd.s32 v31, v30;
	v57 =	vsel vm1, $0x1, v0;
	vm1 =	veq.s32 v27, $0x0  }
0x242: {  	v58 =	vadd.s32 v57, v56;
	v59 =	vsel vm1, $0x1, v0;
	vm1 =	veq.s32 v26, $0x0  }
0x243: {  	v60 =	vadd.s32 v59, v58;
	v61 =	vsel vm1, $0x1, v0;
	vm1 =	veq.s32 v25, $0x0  }
0x244: {  	v62 =	vadd.s32 v61, v60;
	v63 =	vsel vm1, $0x1, v0;
	vm1 =	veq.s32 v24, $0x0  }
0x245: {  	v28 =	vadd.s32 v63, v62;
	v30 =	vsel vm1, $0x1, v0;
	vm1 =	veq.s32 v23, $0x0  }
0x246: {  	v31 =	vadd.s32 v30, v28;
	v39 =	vsel vm1, $0x1, v0;
	vm1 =	veq.s32 v21, $0x0  }
0x247: {  	v40 =	vadd.s32 v39, v31;
	v41 =	vsel vm1, $0x1, v0;
	vm1 =	veq.s32 v20, $0x0  }
0x248: {  	v42 =	vadd.s32 v41, v40;
	v43 =	vsel vm1, $0x1, v0;
	vm1 =	veq.s32 v19, $0x0  }
0x249: {  	v44 =	vadd.s32 v43, v42;
	v45 =	vsel vm1, $0x1, v0;
	vm1 =	veq.s32 v18, $0x0  }
0x24a: {  	v46 =	vadd.s32 v45, v44;
	v47 =	vsel vm1, $0x1, v0  }
0x24b: {  	v18 =	vadd.s32 v47, v46  }
0x24c: {  	(v2sf) =	vpush v18, $0x0  }
0x24d: {  	(v2sf) =	vpush v18, $0x1  }
0x24e: {  	(v2sf) =	vpush v18, $0x2  }
0x24f: {  	(v2sf) =	vpush v18, $0x3  }
0x250: {  	vm1 =	veq.s32 v15, $0x0;
	(v2sf) =	vpush v18, $0x4  }
0x251: {  	vm1 =	vmand vm1, vm0;
	(v2sf) =	vpush v18, $0x5  }
0x252: {  	v48 =	vsel vm1, $0x1, v0;
	(v2sf) =	vpush v18, $0x6  }
0x253: {  	v15 =	vadd.s32 v48, v18;
	(v2sf) =	vpush v18, $0x7  }
0x254: {  	(v2sf) =	vpush v15, $0x8  }
0x255: {  	(v2sf) =	vpush v15, $0x9  }
0x256: {  	(v2sf) =	vpush v15, $0xA  }
0x257: {  	(v2sf) =	vpush v15, $0xB  }
0x258: {  	(v2sf) =	vpush v15, $0xC  }
0x259: {  	(v2sf) =	vpush v15, $0xD  }
0x25a: {  	(v2sf) =	vpush v15, $0xE  }
0x25b: {  	s24 =	spop (v2sf);
	(v2sf) =	vpush v15, $0xF  }
0x25c: {  	s25 =	spop (v2sf)  }
0x25d: {  	s24 =	sadd.s32 s25, s24;
	s28 =	spop (v2sf)  }
0x25e: {  	s24 =	sadd.s32 s28, s24;
	s29 =	spop (v2sf)  }
0x25f: {  	s24 =	sadd.s32 s29, s24;
	s30 =	spop (v2sf)  }
0x260: {  	s24 =	sadd.s32 s30, s24;
	s31 =	spop (v2sf)  }
0x261: {  	s24 =	sadd.s32 s31, s24;
	s26 =	spop (v2sf)  }
0x262: {  	s24 =	sadd.s32 s26, s24;
	s28 =	spop (v2sf)  }
0x263: {  	s24 =	sadd.s32 s28, s24;
	s29 =	spop (v2sf)  }
0x264: {  	s24 =	sadd.s32 s29, s24;
	s30 =	spop (v2sf)  }
0x265: {  	s24 =	sadd.s32 s30, s24;
	s31 =	spop (v2sf)  }
0x266: {  	s24 =	sadd.s32 s31, s24;
	s26 =	spop (v2sf)  }
0x267: {  	s24 =	sadd.s32 s26, s24;
	s28 =	spop (v2sf)  }
0x268: {  	s24 =	sadd.s32 s28, s24;
	s29 =	spop (v2sf)  }
0x269: {  	s24 =	sadd.s32 s29, s24;
	s30 =	spop (v2sf)  }
0x26a: {  	s24 =	sadd.s32 s30, s24;
	s31 =	spop (v2sf)  }
0x26b: {  	s24 =	sadd.s32 s31, s24  }
0x26c: {  	s24 =	scvt.s32.f32 s24;
	_ =	sdelay $0x1  }
0x26d: {  	v49 =	vmov s24  }
0x26e: {  	v15 =	vsub.f32 $2.000000000e+02, v49  }
0x26f: {  	v16 =	vadd.f32 v37, v16  }
0x270: {  	v15 =	vmax.f32 v15, $1.000000000e+00  }
0x271: {  	v16 =	vadd.f32 v33, v16;
	(erf) = vrcp.f32 v15  }
0x272: {  	v50 =	vld [tilespmem:$0x14C00]  }
0x273: {  	v17 =	vadd.f32 v17, v38;
	v12 =	vadd.f32 v12, v16;
	_ =	sdelay $0x1  }
0x274: {  	v7 =	vadd.f32 v7, v17;
	v5 =	vadd.f32 v5, v12;
	_ =	sdelay $0x1  }
0x275: {  	v51 =	vld [tilespmem:s23+$0xFA70];
	v5 =	vadd.f32 v5, v7;
	v53 =	vmul.f32 s24, v50  }
0x276: {  	v52 =	vld [tilespmem:s23+$0xFAE0]  }
0x277: {  	v54 =	vld [tilespmem:s23+$0xFAF0];
	v5 =	vsub.f32 v5, v53  }
0x278: {  	v55 =	vld [tilespmem:s23+$0xFB60];
	v57 =	vpop (erf)  }
0x279: {  	s22 =	sshll.u32 s22, $0x6;
	v56 =	vld [tilespmem:s23+$0xFB70];
	v14 =	vadd.f32 v35, v14;
	v5 =	vmul.f32 v5, v57  }
0x27a: {  	s22 =	sand.u32 $0x3FFFFFC0, s22;
	v58 =	vld [tilespmem:s23+$0xFBE0]  }
0x27b: {  	v59 =	vld [tilespmem:s23+$0xFBF0];
	v14 =	vadd.f32 v22, v14;
	[tilespmem:s22+$0x12C00] =	vst v5  }
0x27c: {  	v5 =	vld [tilespmem:$0x14C10]  }
0x27d: {  	v13 =	vadd.f32 v13, v36;
	v9 =	vadd.f32 v9, v14;
	_ =	sdelay $0x1  }
0x27e: {  	v4 =	vadd.f32 v4, v13;
	v2 =	vadd.f32 v2, v9;
	_ =	sdelay $0x1  }
0x27f: {  	v2 =	vadd.f32 v2, v4;
	v60 =	vmul.f32 s24, v5;
	_ =	sdelay $0x1  }
0x280: {  	v2 =	vsub.f32 v2, v60;
	_ =	sdelay $0x1  }
0x281: {  	v61 =	vadd.f32 v32, v11;
	v2 =	vmul.f32 v2, v57;
	_ =	sdelay $0x1  }
0x282: {  	v4 =	vadd.f32 v52, v61;
	[tilespmem:s22+$0x12C10] =	vst v2  }
0x283: {  	v2 =	vld [tilespmem:$0x14C20]  }
0x284: {  	v62 =	vadd.f32 v10, v34;
	v4 =	vadd.f32 v55, v4;
	_ =	sdelay $0x1  }
0x285: {  	v3 =	vadd.f32 v3, v62;
	v4 =	vadd.f32 v58, v4;
	_ =	sdelay $0x1  }
0x286: {  	v3 =	vadd.f32 v4, v3;
	v2 =	vmul.f32 s24, v2;
	_ =	sdelay $0x1  }
0x287: {  	v2 =	vsub.f32 v3, v2;
	_ =	sdelay $0x1  }
0x288: {  	v3 =	vadd.f32 v51, v8;
	v2 =	vmul.f32 v2, v57;
	_ =	sdelay $0x1  }
0x289: {  	v3 =	vadd.f32 v54, v3;
	[tilespmem:s22+$0x12C20] =	vst v2  }
0x28a: {  	v2 =	vld [tilespmem:$0x14C30]  }
0x28b: {  	v63 =	vadd.f32 v6, v29;
	v3 =	vadd.f32 v56, v3;
	_ =	sdelay $0x1  }
0x28c: {  	v1 =	vadd.f32 v1, v63;
	v3 =	vadd.f32 v59, v3;
	_ =	sdelay $0x1  }
0x28d: {  	s21 =	sadd.s32 $0x1, s21;
	v1 =	vadd.f32 v3, v1;
	v2 =	vmul.f32 s24, v2  }
0x28e: {  	p0 =	sne.s32 s21, $0x20  }
.Ltmp4:
0x28f: {  	v1 =	vsub.f32 v1, v2;
	(pc) =	sbr.rel @p0 .LBB2_2-.Ltmp4, $3  }
0x290: {  	_ = 	snop  }
0x291: {  	v1 =	vmul.f32 v1, v57;
	_ =	sdelay $0x1  }
0x292: {  	[tilespmem:s22+$0x12C30] =	vst v1  }
0x293: {  	_ =	swait.ge [sflag:s15], $0x3200  }
0x294: {  	[sflag:s15] =	ssyncset.done $0x0  }
0x295: {  	[sflag:s15] =	ssyncadd.s32 $0xFFFFCE00  }
0x296: {  	_ =	swait.ge [sflag:s16], $0x3200  }
0x297: {  	[sflag:s16] =	ssyncset.done $0x0  }
0x298: {  	[sflag:s16] =	ssyncadd.s32 $0xFFFFCE00  }
0x299: {  	s20 =	sadd.s32 $0x1, s20;
	_ =	swait.ge [sflag:s17], $0x3200  }
0x29a: {  	p0 =	sne.s32 s20, s6;
	[sflag:s17] =	ssyncset.done $0x0  }
.Ltmp5:
0x29b: {  	[sflag:s17] =	ssyncadd.s32 $0xFFFFCE00;
	(pc) =	sbr.rel @p0 .LBB2_1-.Ltmp5, $4  }
0x29c: {  	[hbm4b:s5+s2] =	stream.linear.scatter [tilespmem:s19], [sflag:$0x5], $0x2000, $0x38;
	[tilespmem:$0x14C40] =	vst v63  }
0x29d: {  	_ =	swait.ge [sflag:s8], $0x2000  }
0x29e: {  	[sflag:s8] =	ssyncset.done $0x0  }
0x29f: {  	[sflag:s8] =	ssyncadd.s32 $0xFFFFE000  }
0x2a0: {  	_ =	sfence.sel $0x180000  }
0x2a1: {  	[bflag:$0x0] =	sbarrier.arrive $0xFFFF  }
0x2a2: {  	p0 =	sne.s32 s0, $0x0;
	_ =	strace $0x90000047  }
0x2a3: {  	s0 =	sadd.s32 @!p0 $0x100000, s1;
	[bflag:$0x2] =	sbarrier.arrive $0xFFFF  }
0x2a4: {  	[sflag:s0] =	ssyncadd.tile.s32 @!p0 $0x1;
	_ =	shalt  }
.Lfunc_end2:
_tile_overlayer_lowered:
.L_overlay_start_2:
0x2a5: {  	(tag) =	ssettag $0x2  }
0x2a6: {  	s0 =	rddreg [dreg:$0x0];
	s2 =	stileid.u32  }
0x2a7: {  	s1 =	rddreg [dreg:$0x1];
	p0 =	sne.s32 s2, $0x0  }
0x2a8: {  	s3 =	rddreg [dreg:$0x2];
	[bflag:$0x3] =	sbarrier.arrive $0xFFFF;
	s2 =	simm.s32 @!p0 $0x1C05  }
0x2a9: {  	[timem:s3], [sflag:s2] =	dma.local @!p0 [hbm:s0], s1  }
0x2aa: {  	s0 =	simm.s32 @!p0 $0x5  }
0x2ab: {  	_ =	swait.ge @!p0 [sflag:s0], s1  }
0x2ac: {  	s1 =	ssub.s32 @!p0 $0x0, s1;
	[sflag:s0] =	ssyncset.done @!p0 $0x0  }
0x2ad: {  	[sflag:s0] =	ssyncadd.s32 @!p0 s1  }
0x2ae: {  	[bflag:$0x3] =	sbarrier.arrive $0xFFFF  }
0x2af: {  	_ =	shalt  }

</sc_bundles>
